<compile_context>
chip_gen: v7x
topology: tpu7x:2x2x1
jax: 0.10.2.dev20260603
libtpu: 0.0.44.dev20260713+nightly
codegen_flags: <defaults>
</compile_context>

<pallas_src>
import functools

import jax
import jax.numpy as jnp
from jax import lax
from jax.experimental import pallas as pl
from jax.experimental.pallas import tpu as pltpu
from jax.experimental.pallas import tpu_sc as plsc

B, C, N = 4, 256, 2048
NUM_BINS = 8
M = 256
K_NN = 32
Q_OUT = 256
CS = N // NUM_BINS
NT = N + NUM_BINS


def _sortable_key(f):
    u = lax.bitcast_convert_type(f, jnp.int32)
    int_min = jnp.asarray(-2147483648, jnp.int32)
    return jnp.where(u >= 0, u, (int_min - u) - 1)


def _fused_body(attn_ref, xyzt_ref, xyz_ref, sqc_ref, sqr_ref, acc_ref):
    i = pl.program_id(1)
    inner = lax.dot_general(xyzt_ref[0], xyz_ref[0], (((1,), (0,)), ((), ())),
                            preferred_element_type=jnp.float32)
    d2b = (sqc_ref[0] + sqr_ref[0]) - 2.0 * inner
    key = _sortable_key(d2b)
    R = key.shape[0]
    cols = lax.broadcasted_iota(jnp.int32, (R, N), 1)
    g = lax.broadcasted_iota(jnp.int32, (R, 1), 0) + i * R
    int_max = jnp.asarray(2147483647, jnp.int32)
    keyx = jnp.where(cols == g, int_max, key)
    lo = jnp.min(keyx, axis=1, keepdims=True)
    m128 = key[:, 0:128]
    for t in range(1, 16):
        m128 = jnp.minimum(m128, key[:, t * 128:(t + 1) * 128])
    hi = jnp.max(m128, axis=1, keepdims=True)
    hi = jnp.maximum(hi, lo)

    def bs_cond(carry):
        lo, hi = carry
        return jnp.any(lo < hi)

    def bs_body(carry):
        lo, hi = carry
        mid = (lo & hi) + ((lo ^ hi) >> 1)
        cnt = jnp.sum((key <= mid).astype(jnp.int32), axis=1, keepdims=True)
        ge = cnt >= K_NN
        return jnp.where(ge, lo, mid + 1), jnp.where(ge, mid, hi)

    lo, hi = lax.while_loop(bs_cond, bs_body, (lo, hi))
    t = hi
    cnt_t = jnp.sum((key <= t).astype(jnp.int32), axis=1, keepdims=True)

    def with_ties(_):
        c_less = jnp.sum((key < t).astype(jnp.int32), axis=1, keepdims=True)
        t_allowed = K_NN - c_less
        tie = key == t
        tlo = jnp.zeros((R, 1), jnp.int32)
        thi = jnp.full((R, 1), jnp.int32(N - 1))

        def ts_body(_, carry):
            tlo, thi = carry
            mid = tlo + ((thi - tlo) >> 1)
            cnt = jnp.sum((tie & (cols <= mid)).astype(jnp.int32), axis=1,
                          keepdims=True)
            ge = cnt >= t_allowed
            return jnp.where(ge, tlo, mid + 1), jnp.where(ge, mid, thi)

        _, thi = lax.fori_loop(0, 11, ts_body, (tlo, thi))
        return thi

    def no_ties(_):
        return jnp.full((R, 1), jnp.int32(N - 1))

    T = lax.cond(jnp.any(cnt_t > K_NN), with_ties, no_ties, 0)
    maskf = ((key < t) | ((key == t) & (cols <= T))).astype(jnp.float32)
    prod = attn_ref[0, :, :N] * maskf

    @pl.when(i == 0)
    def _():
        acc_ref[...] = jnp.zeros_like(acc_ref)

    acc = acc_ref[0, 0]
    for t2 in range(R // 8):
        acc = acc + prod[t2 * 8:(t2 + 1) * 8, :]
    acc_ref[0, 0] = acc


def _fused_aps_pallas(attn, x_xyz):
    sq = jnp.sum(x_xyz * x_xyz, axis=1)
    xyzT = jnp.swapaxes(x_xyz, 1, 2)
    RB = 1024
    acc8 = pl.pallas_call(
        _fused_body,
        grid=(B, N // RB),
        in_specs=[pl.BlockSpec((1, RB, NT), lambda b, i: (b, i, 0)),
                  pl.BlockSpec((1, RB, 3), lambda b, i: (b, i, 0)),
                  pl.BlockSpec((1, 3, N), lambda b, i: (b, 0, 0)),
                  pl.BlockSpec((1, RB, 1), lambda b, i: (b, i, 0)),
                  pl.BlockSpec((1, 1, N), lambda b, i: (b, 0, 0))],
        out_specs=pl.BlockSpec((1, 1, 8, N), lambda b, i: (b, 0, 0, 0)),
        out_shape=jax.ShapeDtypeStruct((B, 1, 8, N), jnp.float32),
    )(attn, xyzT, x_xyz, sq[:, :, None], sq[:, None, :])[:, 0]
    s = acc8
    t_ = s[:, 0:4] + s[:, 4:8]
    t_ = t_[:, 0:2] + t_[:, 2:4]
    return t_[:, 0] + t_[:, 1]


def _select_body(aps_row_ref, aps_col_ref, kscum_ref, idx_ref):
    j = pl.program_id(1)
    a_row = aps_row_ref[0]
    a_col = aps_col_ref[0]
    ksrow = kscum_ref[0]
    RB = a_col.shape[0]
    cols = lax.broadcasted_iota(jnp.int32, (RB, N), 1)
    rows = lax.broadcasted_iota(jnp.int32, (RB, 1), 0)
    m_col = rows + j * RB
    gt = (a_row > a_col).astype(jnp.int32)
    tie = ((a_row == a_col) & (cols < m_col)).astype(jnp.int32)
    p = jnp.sum(gt + tie, axis=1, keepdims=True)
    j_bin = p >> 8
    pos = p & jnp.int32(CS - 1)
    t16 = lax.broadcasted_iota(jnp.int32, (RB, 16), 1)
    kscum_j = jnp.sum(jnp.where(t16 == j_bin, ksrow, 0), axis=1, keepdims=True)
    kscum_j1 = jnp.sum(jnp.where(t16 == j_bin + 1, ksrow, 0), axis=1,
                       keepdims=True)
    flag = pos < (kscum_j1 - kscum_j)
    slot = kscum_j + pos
    total = jnp.sum(jnp.where(lax.broadcasted_iota(jnp.int32, (1, 16), 1) == 8,
                              kscum_ref[0], 0), axis=1, keepdims=True)
    s_iota = lax.broadcasted_iota(jnp.int32, (RB, M), 1)
    sel = flag & (s_iota == slot)
    pad = s_iota == (p + total)
    contrib = jnp.sum(m_col * (sel.astype(jnp.int32) + pad.astype(jnp.int32)),
                      axis=0, keepdims=True)

    @pl.when(j == 0)
    def _():
        idx_ref[0] = jnp.zeros_like(idx_ref[0])

    idx_ref[0] += contrib


def _select_pallas(aps, kscum16):
    RB = 256
    aps_row = aps[:, None, :]
    aps_col = aps[:, :, None]
    idx = pl.pallas_call(
        _select_body,
        grid=(B, N // RB),
        in_specs=[
            pl.BlockSpec((1, 1, N), lambda b, i: (b, 0, 0)),
            pl.BlockSpec((1, RB, 1), lambda b, i: (b, i, 0)),
            pl.BlockSpec((1, 1, 16), lambda b, i: (b, 0, 0)),
        ],
        out_specs=pl.BlockSpec((1, 1, M), lambda b, i: (b, 0, 0)),
        out_shape=jax.ShapeDtypeStruct((B, 1, M), jnp.int32),
    )(aps_row, aps_col, kscum16)
    return idx[:, 0, :]


def _sc_gather_rows(table, idx):
    n_rows, depth = idx.shape[0], table.shape[1]
    info = plsc.get_sparse_core_info()
    nw = info.num_cores * info.num_subcores
    per_w = n_rows // nw
    mesh = plsc.VectorSubcoreMesh(core_axis_name="c", subcore_axis_name="s")

    @functools.partial(
        pl.kernel, mesh=mesh,
        out_type=jax.ShapeDtypeStruct((n_rows, depth), jnp.float32),
        scratch_types=[
            pltpu.VMEM((per_w,), jnp.int32),
            pltpu.VMEM((per_w, depth), jnp.float32),
            pltpu.SemaphoreType.DMA,
        ],
    )
    def k(table_hbm, idx_hbm, out_hbm, idx_v, rows_v, sem):
        wid = lax.axis_index("s") * info.num_cores + lax.axis_index("c")
        base = wid * per_w
        pltpu.sync_copy(idx_hbm.at[pl.ds(base, per_w)], idx_v)
        pltpu.async_copy(table_hbm.at[idx_v], rows_v, sem).wait()
        pltpu.sync_copy(rows_v, out_hbm.at[pl.ds(base, per_w)])

    return k(table, idx)


def kernel(x, x_xyz, bin_tokens, Wq, Wk, Wv):
    Bb, Cc, Nn = x.shape
    tokens = jnp.broadcast_to(bin_tokens, (Bb, Cc, NUM_BINS))
    x_and_token = jnp.concatenate([x, tokens], axis=-1)
    q = jnp.einsum('oc,bcn->bon', Wq, x_and_token)
    k = jnp.einsum('oc,bcn->bon', Wk, x_and_token)
    d = q.shape[1]
    energy = jnp.einsum('bdn,bdm->bnm', q, k) / jnp.sqrt(jnp.float32(d))
    attention = jax.nn.softmax(energy, axis=-1)
    aps = _fused_aps_pallas(attention, x_xyz)
    token_scores = jnp.sum(attention[:, Nn:, :Nn], axis=-1)
    bin_prob = jax.nn.softmax(token_scores, axis=-1)
    ks = jnp.floor((2 * M / NUM_BINS) * bin_prob).astype(jnp.int32)
    ks = jnp.clip(ks, 0, CS)
    last = jnp.clip(M - jnp.sum(ks[:, :-1], axis=-1), 0, CS)
    ks = jnp.concatenate([ks[:, :-1], last[:, None]], axis=-1)
    kscum = jnp.cumsum(ks, axis=-1)
    kscum16 = jnp.concatenate(
        [jnp.zeros((Bb, 1), jnp.int32), kscum,
         jnp.zeros((Bb, 7), jnp.int32)], axis=-1)[:, None, :]
    idx_batch = _select_pallas(aps, kscum16)
    vT = jnp.einsum('oc,bcn->bno', Wv, x_and_token[:, :, :Nn])
    table = vT.reshape(Bb * Nn, Q_OUT)
    glob_idx = (idx_batch
                + (jnp.arange(Bb, dtype=jnp.int32) * Nn)[:, None]).reshape(-1)
    rows = _sc_gather_rows(table, glob_idx)
    x_ds = jnp.swapaxes(rows.reshape(Bb, M, Q_OUT), 1, 2)
    return x_ds, idx_batch

# --- scband reference (transcript-rebuilt; emitter-appended) ---
"""Pipeline reference for scband-down-sample-token-13159779795141 (READ-ONLY COPY).

The authoritative reference and input builder live on the scoring server;
editing this copy changes nothing except your own understanding.
"""

import jax, jax.numpy as jnp
import numpy as np

B, C, N = 4, 256, 2048
NUM_BINS = 8
M = 256
K_NN = 32
Q_OUT = 256


def _knn_mask(xyz, K):
    # xyz: (B, 3, N) -> boolean-ish float mask (B, N, N) of K nearest neighbors
    sq = jnp.sum(xyz * xyz, axis=1)
    inner = jnp.einsum('bdn,bdm->bnm', xyz, xyz)
    d2 = sq[:, :, None] + sq[:, None, :] - 2.0 * inner
    _, idx = jax.lax.top_k(-d2, K)
    Bb, Nn = sq.shape
    mask = jnp.zeros((Bb, Nn, Nn), dtype=jnp.float32)
    bi = jnp.arange(Bb)[:, None, None]
    ni = jnp.arange(Nn)[None, :, None]
    return mask.at[bi, ni, idx].set(1.0)


def setup_inputs(seed: int = 0):
    key = jax.random.key(seed)
    k1, k2, k3, k4, k5, k6 = jax.random.split(key, 6)
    x = jax.random.normal(k1, (B, C, N), dtype=jnp.float32)
    x_xyz = jax.random.normal(k2, (B, 3, N), dtype=jnp.float32)
    bin_tokens = jax.random.normal(k3, (1, C, NUM_BINS), dtype=jnp.float32)
    s = 1.0 / np.sqrt(C)
    Wq = jax.random.normal(k4, (Q_OUT, C), dtype=jnp.float32) * s
    Wk = jax.random.normal(k5, (Q_OUT, C), dtype=jnp.float32) * s
    Wv = jax.random.normal(k6, (Q_OUT, C), dtype=jnp.float32) * s
    return {'x': x, 'x_xyz': x_xyz, 'bin_tokens': bin_tokens, 'Wq': Wq, 'Wk': Wk, 'Wv': Wv}


def reference(x, x_xyz, bin_tokens, Wq, Wk, Wv):
    Bb, Cc, Nn = x.shape
    tokens = jnp.broadcast_to(bin_tokens, (Bb, Cc, NUM_BINS))
    x_and_token = jnp.concatenate([x, tokens], axis=-1)  # (B, C, N+nb)
    q = jnp.einsum('oc,bcn->bon', Wq, x_and_token)
    k = jnp.einsum('oc,bcn->bon', Wk, x_and_token)
    v = jnp.einsum('oc,bcn->bon', Wv, x_and_token)
    d = q.shape[1]
    energy = jnp.einsum('bdn,bdm->bnm', q, k) / jnp.sqrt(jnp.float32(d))
    attention = jax.nn.softmax(energy, axis=-1)  # (B, N+nb, N+nb)
    # sparse attention map over point-point block masked to K nearest neighbors
    attention_map = attention[:, None, :Nn, :Nn]  # (B, 1, N, N), H == 1
    mask = _knn_mask(x_xyz, K_NN)[:, None, :, :]
    sparse_attention_map = attention_map * mask
    attention_point_score = jnp.sum(sparse_attention_map, axis=-2)  # (B, 1, N)
    # bin probabilities from bin-token rows of the attention map
    token_scores = jnp.sum(attention[:, Nn:, :Nn], axis=-1)  # (B, num_bins)
    bin_prob = jax.nn.softmax(token_scores, axis=-1)
    # bin_idx_selection (bin_sample_mode == 'topk'): sort descending, chunk, topk per bin
    aps = attention_point_score[:, 0, :]
    order = jnp.argsort(-aps, axis=-1)
    cs = Nn // NUM_BINS
    ks = jnp.floor((2 * M / NUM_BINS) * bin_prob).astype(jnp.int32)
    ks = jnp.clip(ks, 0, cs)
    last = jnp.clip(M - jnp.sum(ks[:, :-1], axis=-1), 0, cs)
    ks = jnp.concatenate([ks[:, :-1], last[:, None]], axis=-1)  # (B, NUM_BINS)
    pos = jnp.arange(Nn)
    pos_in_bin = pos % cs
    bin_of_pos = pos // cs
    flag = pos_in_bin[None, :] < ks[:, bin_of_pos]  # (B, N)
    rank = jnp.cumsum(flag.astype(jnp.int32), axis=-1) - 1
    total = jnp.sum(flag.astype(jnp.int32), axis=-1)  # (B,)
    pad_idx = jnp.clip(jnp.arange(M)[None, :] - total[:, None], 0, Nn - 1)
    base = jnp.take_along_axis(order, pad_idx, axis=1)  # (B, M)
    target = jnp.where(flag, rank, M)
    bi = jnp.arange(Bb)[:, None]
    idx_batch = base.at[bi, target].set(order, mode='drop')  # (B, M)
    v_points = v[:, :, :Nn]
    gidx = jnp.broadcast_to(idx_batch[:, None, :], (Bb, v_points.shape[1], M))
    x_ds = jnp.take_along_axis(v_points, gidx, axis=2)  # (B, v_out, M)
    return x_ds, idx_batch

if __name__ == "__main__":
    import jax
    _d = setup_inputs()
    print(jax.jit(kernel)(*tuple(_d.values())))

</pallas_src>

<mosaic_0001>
#map = affine_map<(d0, d1) -> (0, 0)>
#map1 = affine_map<(d0, d1) -> (0)>
module attributes {stable_mosaic.version = 14 : i64} {
  func.func @k(%arg0: i32, %arg1: i32, %arg2: memref<8192x256xf32, #tpu.memory_space<hbm>>, %arg3: memref<1024xi32, #tpu.memory_space<hbm>>, %arg4: memref<1024x256xf32, #tpu.memory_space<hbm>>, %arg5: memref<32xi32, #tpu.memory_space<vmem>>, %arg6: memref<32x256xf32, #tpu.memory_space<vmem>>, %arg7: memref<!tpu.dma_semaphore, #tpu.memory_space<semaphore_mem>>) attributes {dimension_semantics = [#tpu.dimension_semantics<core_parallel>, #tpu.dimension_semantics<subcore_parallel>], iteration_bounds = array<i64: 2, 16>, scalar_prefetch = 0 : i64, scratch_operands = 3 : i64, tpu.core_type = #tpu.core_type<sc_vector_subcore>, window_params = [{transform_indices = #map}, {transform_indices = #map1}, {transform_indices = #map}]} {
    %mul3A = arith.constant 2 : i32
    %mul3A_0 = arith.muli %arg1, %mul3A : i32
    %add3A = arith.addi %mul3A_0, %arg0 : i32
    %mul3A_1 = arith.constant 32 : i32
    %mul3A_2 = arith.muli %add3A, %mul3A_1 : i32
    "tpu.region"() ({
      %run_scoped3A = tpu.sem_alloc : memref<!tpu.dma_semaphore, #tpu.memory_space<semaphore_mem>>
      %dma_start3A_7 = tpu.memref_slice %arg3[%mul3A_2] : memref<1024xi32, #tpu.memory_space<hbm>> -> memref<32xi32, #tpu.memory_space<hbm>>
      %dma_start3A_8 = tpu.memref_slice %arg3[%mul3A_2] : memref<1024xi32, #tpu.memory_space<hbm>> -> memref<32xi32, #tpu.memory_space<hbm>>
      tpu.enqueue_dma source(%dma_start3A_8 : memref<32xi32, #tpu.memory_space<hbm>>) target(%arg5 : memref<32xi32, #tpu.memory_space<vmem>>) target_semaphore(%run_scoped3A : memref<!tpu.dma_semaphore, #tpu.memory_space<semaphore_mem>>)
      %dma_wait3A_9 = tpu.memref_slice %arg3[%mul3A_2] : memref<1024xi32, #tpu.memory_space<hbm>> -> memref<32xi32, #tpu.memory_space<hbm>>
      %dma_wait3A_10 = tpu.memref_slice %arg3[%mul3A_2] : memref<1024xi32, #tpu.memory_space<hbm>> -> memref<32xi32, #tpu.memory_space<hbm>>
      tpu.wait_dma2 semaphore(%run_scoped3A : memref<!tpu.dma_semaphore, #tpu.memory_space<semaphore_mem>>) src(%dma_wait3A_10 : memref<32xi32, #tpu.memory_space<hbm>>) dst(%arg5 : memref<32xi32, #tpu.memory_space<vmem>>)
      tpu.yield
    }) : () -> ()
    %dma_start3A = arith.constant 0 : i32
    %dma_start3A_3 = arith.constant 0 : i32
    %dma_start3A_4 = tpu.memref_slice %arg2[%dma_start3A, %dma_start3A_3] : memref<8192x256xf32, #tpu.memory_space<hbm>> -> memref<8192x256xf32, #tpu.memory_space<hbm>>
    tpu.enqueue_indirect_dma source(%dma_start3A_4 : memref<8192x256xf32, #tpu.memory_space<hbm>>) target(%arg6 : memref<32x256xf32, #tpu.memory_space<vmem>>) offsets(%arg5 : memref<32xi32, #tpu.memory_space<vmem>>) semaphore(%arg7 : memref<!tpu.dma_semaphore, #tpu.memory_space<semaphore_mem>>)
    %dma_wait3A = arith.constant 0 : i32
    %dma_wait3A_5 = arith.constant 0 : i32
    %dma_wait3A_6 = tpu.memref_slice %arg2[%dma_wait3A, %dma_wait3A_5] : memref<8192x256xf32, #tpu.memory_space<hbm>> -> memref<8192x256xf32, #tpu.memory_space<hbm>>
    tpu.wait_indirect_dma semaphore(%arg7 : memref<!tpu.dma_semaphore, #tpu.memory_space<semaphore_mem>>) src(%dma_wait3A_6 : memref<8192x256xf32, #tpu.memory_space<hbm>>) dst(%arg6 : memref<32x256xf32, #tpu.memory_space<vmem>>)
    "tpu.region"() ({
      %run_scoped3A = tpu.sem_alloc : memref<!tpu.dma_semaphore, #tpu.memory_space<semaphore_mem>>
      %dma_start3A_7 = arith.constant 0 : i32
      %dma_start3A_8 = tpu.memref_slice %arg4[%mul3A_2, %dma_start3A_7] : memref<1024x256xf32, #tpu.memory_space<hbm>> -> memref<32x256xf32, #tpu.memory_space<hbm>>
      %dma_start3A_9 = arith.constant 0 : i32
      %dma_start3A_10 = tpu.memref_slice %arg4[%mul3A_2, %dma_start3A_9] : memref<1024x256xf32, #tpu.memory_space<hbm>> -> memref<32x256xf32, #tpu.memory_space<hbm>>
      tpu.enqueue_dma source(%arg6 : memref<32x256xf32, #tpu.memory_space<vmem>>) target(%dma_start3A_10 : memref<32x256xf32, #tpu.memory_space<hbm>>) target_semaphore(%run_scoped3A : memref<!tpu.dma_semaphore, #tpu.memory_space<semaphore_mem>>)
      %dma_wait3A_11 = arith.constant 0 : i32
      %dma_wait3A_12 = tpu.memref_slice %arg4[%mul3A_2, %dma_wait3A_11] : memref<1024x256xf32, #tpu.memory_space<hbm>> -> memref<32x256xf32, #tpu.memory_space<hbm>>
      %dma_wait3A_13 = arith.constant 0 : i32
      %dma_wait3A_14 = tpu.memref_slice %arg4[%mul3A_2, %dma_wait3A_13] : memref<1024x256xf32, #tpu.memory_space<hbm>> -> memref<32x256xf32, #tpu.memory_space<hbm>>
      tpu.wait_dma2 semaphore(%run_scoped3A : memref<!tpu.dma_semaphore, #tpu.memory_space<semaphore_mem>>) src(%arg6 : memref<32x256xf32, #tpu.memory_space<vmem>>) dst(%dma_wait3A_14 : memref<32x256xf32, #tpu.memory_space<hbm>>)
      tpu.yield
    }) : () -> ()
    return
  }
}

module attributes {stable_mosaic.version = 14 : i64} {
  func.func @_fused_body(%arg0: i32, %arg1: i32, %arg2: memref<1x1024x2056xf32, #tpu.memory_space<vmem>>, %arg3: memref<1x1024x3xf32, #tpu.memory_space<vmem>>, %arg4: memref<1x3x2048xf32, #tpu.memory_space<vmem>>, %arg5: memref<1x1024x1xf32, #tpu.memory_space<vmem>>, %arg6: memref<1x1x2048xf32, #tpu.memory_space<vmem>>, %arg7: memref<1x1x8x2048xf32, #tpu.memory_space<vmem>>) attributes {dimension_semantics = [#tpu.dimension_semantics<arbitrary>, #tpu.dimension_semantics<arbitrary>], iteration_bounds = array<i64: 4, 2>, scalar_prefetch = 0 : i64, scratch_operands = 0 : i64, tpu.core_type = #tpu.core_type<tc>, window_params = [{transform_indices = @transform_0, window_bounds = array<i64: 1, 1024, 2056>}, {transform_indices = @transform_1, window_bounds = array<i64: 1, 1024, 3>}, {transform_indices = @transform_2, window_bounds = array<i64: 1, 3, 2048>}, {transform_indices = @transform_3, window_bounds = array<i64: 1, 1024, 1>}, {transform_indices = @transform_4, window_bounds = array<i64: 1, 1, 2048>}, {transform_indices = @transform_5, window_bounds = array<i64: 1, 1, 8, 2048>}]} {
    %get3A = arith.constant 0 : index
    %get3A_0 = arith.constant 0 : index
    %get3A_1 = arith.constant 0 : index
    %get3A_2 = vector.load %arg3[%get3A, %get3A_0, %get3A_1] : memref<1x1024x3xf32, #tpu.memory_space<vmem>>, vector<1x1024x3xf32>
    %get3A_3 = vector.shape_cast %get3A_2 : vector<1x1024x3xf32> to vector<1024x3xf32>
    %get3A_4 = arith.constant 0 : index
    %get3A_5 = arith.constant 0 : index
    %get3A_6 = arith.constant 0 : index
    %get3A_7 = vector.load %arg4[%get3A_4, %get3A_5, %get3A_6] : memref<1x3x2048xf32, #tpu.memory_space<vmem>>, vector<1x3x2048xf32>
    %get3A_8 = vector.shape_cast %get3A_7 : vector<1x3x2048xf32> to vector<3x2048xf32>
    %dot_general3A = arith.constant dense<0.000000e+00> : vector<1024x2048xf32>
    %dot_general3A_9 = tpu.matmul %get3A_3, %get3A_8, %dot_general3A {dimension_numbers = #tpu.dot_dimension_numbers<[1], [0], [0], [1], [0, 0, 1, 1], [], []>, transpose_lhs_hint = false} : vector<1024x3xf32>, vector<3x2048xf32>, vector<1024x2048xf32> -> vector<1024x2048xf32>
    %get3A_10 = arith.constant 0 : index
    %get3A_11 = arith.constant 0 : index
    %get3A_12 = arith.constant 0 : index
    %get3A_13 = vector.load %arg5[%get3A_10, %get3A_11, %get3A_12] : memref<1x1024x1xf32, #tpu.memory_space<vmem>>, vector<1x1024x1xf32>
    %get3A_14 = vector.shape_cast %get3A_13 : vector<1x1024x1xf32> to vector<1024x1xf32>
    %get3A_15 = arith.constant 0 : index
    %get3A_16 = arith.constant 0 : index
    %get3A_17 = arith.constant 0 : index
    %get3A_18 = vector.load %arg6[%get3A_15, %get3A_16, %get3A_17] : memref<1x1x2048xf32, #tpu.memory_space<vmem>>, vector<1x1x2048xf32>
    %get3A_19 = vector.shape_cast %get3A_18 : vector<1x1x2048xf32> to vector<1x2048xf32>
    %add3A = vector.broadcast %get3A_14 : vector<1024x1xf32> to vector<1024x2048xf32>
    %add3A_20 = vector.broadcast %get3A_19 : vector<1x2048xf32> to vector<1024x2048xf32>
    %add3A_21 = arith.addf %add3A, %add3A_20 : vector<1024x2048xf32>
    %mul3A = arith.constant 2.000000e+00 : f32
    %mul3A_22 = vector.broadcast %mul3A : f32 to vector<1024x2048xf32>
    %mul3A_23 = arith.mulf %mul3A_22, %dot_general3A_9 : vector<1024x2048xf32>
    %sub3A = arith.subf %add3A_21, %mul3A_23 : vector<1024x2048xf32>
    %bitcast_convert_type3A = tpu.bitcast %sub3A : vector<1024x2048xf32> -> vector<1024x2048xi32>
    %ge3A = arith.constant 0 : i32
    %ge3A_24 = vector.broadcast %ge3A : i32 to vector<1024x2048xi32>
    %ge3A_25 = arith.cmpi sge, %bitcast_convert_type3A, %ge3A_24 : vector<1024x2048xi32>
    %sub3A_26 = arith.constant -2147483648 : i32
    %sub3A_27 = vector.broadcast %sub3A_26 : i32 to vector<1024x2048xi32>
    %sub3A_28 = arith.subi %sub3A_27, %bitcast_convert_type3A : vector<1024x2048xi32>
    %sub3A_29 = arith.constant 1 : i32
    %sub3A_30 = vector.broadcast %sub3A_29 : i32 to vector<1024x2048xi32>
    %sub3A_31 = arith.subi %sub3A_28, %sub3A_30 : vector<1024x2048xi32>
    %select_n3A = arith.select %ge3A_25, %bitcast_convert_type3A, %sub3A_31 : vector<1024x2048xi1>, vector<1024x2048xi32>
    %iota3A = tpu.iota {dimensions = array<i32: 1>} : vector<1024x2048xi32>
    %iota3A_32 = tpu.iota {dimensions = array<i32: 0>} : vector<1024x1xi32>
    %mul3A_33 = arith.constant 1024 : i32
    %mul3A_34 = arith.muli %arg1, %mul3A_33 : i32
    %add3A_35 = vector.broadcast %mul3A_34 : i32 to vector<1024x1xi32>
    %add3A_36 = arith.addi %iota3A_32, %add3A_35 : vector<1024x1xi32>
    %eq3A = vector.broadcast %add3A_36 : vector<1024x1xi32> to vector<1024x2048xi32>
    %eq3A_37 = arith.cmpi eq, %iota3A, %eq3A : vector<1024x2048xi32>
    %jit3A = arith.constant 2147483647 : i32
    %broadcast_in_dim3A = vector.broadcast %jit3A : i32 to vector<1024x2048xi32>
    %select_n3A_38 = arith.select %eq3A_37, %broadcast_in_dim3A, %select_n3A : vector<1024x2048xi1>, vector<1024x2048xi32>
    %reduce_min3A = arith.constant dense<2147483647> : vector<1024xi32>
    %reduce_min3A_39 = vector.multi_reduction <minsi>, %select_n3A_38, %reduce_min3A [1] : vector<1024x2048xi32> to vector<1024xi32>
    %broadcast_in_dim3A_40 = vector.shape_cast %reduce_min3A_39 : vector<1024xi32> to vector<1024x1xi32>
    %slice3A = vector.extract_strided_slice %select_n3A {offsets = [0, 0], sizes = [1024, 128], strides = [1, 1]} : vector<1024x2048xi32> to vector<1024x128xi32>
    %slice3A_41 = vector.extract_strided_slice %select_n3A {offsets = [0, 128], sizes = [1024, 128], strides = [1, 1]} : vector<1024x2048xi32> to vector<1024x128xi32>
    %min3A = arith.minsi %slice3A, %slice3A_41 : vector<1024x128xi32>
    %slice3A_42 = vector.extract_strided_slice %select_n3A {offsets = [0, 256], sizes = [1024, 128], strides = [1, 1]} : vector<1024x2048xi32> to vector<1024x128xi32>
    %min3A_43 = arith.minsi %min3A, %slice3A_42 : vector<1024x128xi32>
    %slice3A_44 = vector.extract_strided_slice %select_n3A {offsets = [0, 384], sizes = [1024, 128], strides = [1, 1]} : vector<1024x2048xi32> to vector<1024x128xi32>
    %min3A_45 = arith.minsi %min3A_43, %slice3A_44 : vector<1024x128xi32>
    %slice3A_46 = vector.extract_strided_slice %select_n3A {offsets = [0, 512], sizes = [1024, 128], strides = [1, 1]} : vector<1024x2048xi32> to vector<1024x128xi32>
    %min3A_47 = arith.minsi %min3A_45, %slice3A_46 : vector<1024x128xi32>
    %slice3A_48 = vector.extract_strided_slice %select_n3A {offsets = [0, 640], sizes = [1024, 128], strides = [1, 1]} : vector<1024x2048xi32> to vector<1024x128xi32>
    %min3A_49 = arith.minsi %min3A_47, %slice3A_48 : vector<1024x128xi32>
    %slice3A_50 = vector.extract_strided_slice %select_n3A {offsets = [0, 768], sizes = [1024, 128], strides = [1, 1]} : vector<1024x2048xi32> to vector<1024x128xi32>
    %min3A_51 = arith.minsi %min3A_49, %slice3A_50 : vector<1024x128xi32>
    %slice3A_52 = vector.extract_strided_slice %select_n3A {offsets = [0, 896], sizes = [1024, 128], strides = [1, 1]} : vector<1024x2048xi32> to vector<1024x128xi32>
    %min3A_53 = arith.minsi %min3A_51, %slice3A_52 : vector<1024x128xi32>
    %slice3A_54 = vector.extract_strided_slice %select_n3A {offsets = [0, 1024], sizes = [1024, 128], strides = [1, 1]} : vector<1024x2048xi32> to vector<1024x128xi32>
    %min3A_55 = arith.minsi %min3A_53, %slice3A_54 : vector<1024x128xi32>
    %slice3A_56 = vector.extract_strided_slice %select_n3A {offsets = [0, 1152], sizes = [1024, 128], strides = [1, 1]} : vector<1024x2048xi32> to vector<1024x128xi32>
    %min3A_57 = arith.minsi %min3A_55, %slice3A_56 : vector<1024x128xi32>
    %slice3A_58 = vector.extract_strided_slice %select_n3A {offsets = [0, 1280], sizes = [1024, 128], strides = [1, 1]} : vector<1024x2048xi32> to vector<1024x128xi32>
    %min3A_59 = arith.minsi %min3A_57, %slice3A_58 : vector<1024x128xi32>
    %slice3A_60 = vector.extract_strided_slice %select_n3A {offsets = [0, 1408], sizes = [1024, 128], strides = [1, 1]} : vector<1024x2048xi32> to vector<1024x128xi32>
    %min3A_61 = arith.minsi %min3A_59, %slice3A_60 : vector<1024x128xi32>
    %slice3A_62 = vector.extract_strided_slice %select_n3A {offsets = [0, 1536], sizes = [1024, 128], strides = [1, 1]} : vector<1024x2048xi32> to vector<1024x128xi32>
    %min3A_63 = arith.minsi %min3A_61, %slice3A_62 : vector<1024x128xi32>
    %slice3A_64 = vector.extract_strided_slice %select_n3A {offsets = [0, 1664], sizes = [1024, 128], strides = [1, 1]} : vector<1024x2048xi32> to vector<1024x128xi32>
    %min3A_65 = arith.minsi %min3A_63, %slice3A_64 : vector<1024x128xi32>
    %slice3A_66 = vector.extract_strided_slice %select_n3A {offsets = [0, 1792], sizes = [1024, 128], strides = [1, 1]} : vector<1024x2048xi32> to vector<1024x128xi32>
    %min3A_67 = arith.minsi %min3A_65, %slice3A_66 : vector<1024x128xi32>
    %slice3A_68 = vector.extract_strided_slice %select_n3A {offsets = [0, 1920], sizes = [1024, 128], strides = [1, 1]} : vector<1024x2048xi32> to vector<1024x128xi32>
    %min3A_69 = arith.minsi %min3A_67, %slice3A_68 : vector<1024x128xi32>
    %reduce_max3A = arith.constant dense<-2147483648> : vector<1024xi32>
    %reduce_max3A_70 = vector.multi_reduction <maxsi>, %min3A_69, %reduce_max3A [1] : vector<1024x128xi32> to vector<1024xi32>
    %broadcast_in_dim3A_71 = vector.shape_cast %reduce_max3A_70 : vector<1024xi32> to vector<1024x1xi32>
    %max3A = arith.maxsi %broadcast_in_dim3A_71, %broadcast_in_dim3A_40 : vector<1024x1xi32>
    %while3A:2 = scf.while (%while3A_377 = %broadcast_in_dim3A_40, %while3A_378 = %max3A) : (vector<1024x1xi32>, vector<1024x1xi32>) -> (vector<1024x1xi32>, vector<1024x1xi32>) {
      %lt3A_379 = arith.cmpi slt, %while3A_377, %while3A_378 : vector<1024x1xi32>
      %reduce_or3A_380 = arith.constant 1.000000e+00 : f32
      %reduce_or3A_381 = arith.constant 0.000000e+00 : f32
      %reduce_or3A_382 = vector.broadcast %reduce_or3A_380 : f32 to vector<1024x1xf32>
      %reduce_or3A_383 = vector.broadcast %reduce_or3A_381 : f32 to vector<1024x1xf32>
      %reduce_or3A_384 = arith.select %lt3A_379, %reduce_or3A_382, %reduce_or3A_383 : vector<1024x1xi1>, vector<1024x1xf32>
      %reduce_or3A_385 = vector.shape_cast %reduce_or3A_384 : vector<1024x1xf32> to vector<1x1024x1xf32>
      %reduce_or3A_386 = arith.constant dense<0xFF800000> : vector<1xf32>
      %reduce_or3A_387 = vector.multi_reduction <maximumf>, %reduce_or3A_385, %reduce_or3A_386 [1, 2] : vector<1x1024x1xf32> to vector<1xf32>
      %reduce_or3A_388 = vector.shape_cast %reduce_or3A_387 : vector<1xf32> to vector<1x1x1xf32>
      %reduce_or3A_389 = vector.extract %reduce_or3A_388[0, 0, 0] : f32 from vector<1x1x1xf32>
      %reduce_or3A_390 = arith.constant 0.000000e+00 : f32
      %reduce_or3A_391 = arith.cmpf ogt, %reduce_or3A_389, %reduce_or3A_390 : f32
      scf.condition(%reduce_or3A_391) %while3A_377, %while3A_378 : vector<1024x1xi32>, vector<1024x1xi32>
    } do {
    ^bb0(%while3A_377: vector<1024x1xi32>, %while3A_378: vector<1024x1xi32>):
      %and3A_379 = arith.andi %while3A_377, %while3A_378 : vector<1024x1xi32>
      %xor3A = arith.xori %while3A_377, %while3A_378 : vector<1024x1xi32>
      %shift_right_arithmetic3A = arith.constant 1 : i32
      %shift_right_arithmetic3A_380 = vector.broadcast %shift_right_arithmetic3A : i32 to vector<1024x1xi32>
      %shift_right_arithmetic3A_381 = arith.shrsi %xor3A, %shift_right_arithmetic3A_380 : vector<1024x1xi32>
      %add3A_382 = arith.addi %and3A_379, %shift_right_arithmetic3A_381 : vector<1024x1xi32>
      %le3A_383 = vector.broadcast %add3A_382 : vector<1024x1xi32> to vector<1024x2048xi32>
      %le3A_384 = arith.cmpi sle, %select_n3A, %le3A_383 : vector<1024x2048xi32>
      %convert_element_type3A_385 = arith.extui %le3A_384 : vector<1024x2048xi1> to vector<1024x2048xi32>
      %reduce_sum3A_386 = arith.constant dense<0> : vector<1024xi32>
      %reduce_sum3A_387 = vector.multi_reduction <add>, %convert_element_type3A_385, %reduce_sum3A_386 [1] : vector<1024x2048xi32> to vector<1024xi32>
      %broadcast_in_dim3A_388 = vector.shape_cast %reduce_sum3A_387 : vector<1024xi32> to vector<1024x1xi32>
      %ge3A_389 = arith.constant 32 : i32
      %ge3A_390 = vector.broadcast %ge3A_389 : i32 to vector<1024x1xi32>
      %ge3A_391 = arith.cmpi sge, %broadcast_in_dim3A_388, %ge3A_390 : vector<1024x1xi32>
      %add3A_392 = arith.constant 1 : i32
      %add3A_393 = vector.broadcast %add3A_392 : i32 to vector<1024x1xi32>
      %add3A_394 = arith.addi %add3A_382, %add3A_393 : vector<1024x1xi32>
      %select_n3A_395 = arith.select %ge3A_391, %while3A_377, %add3A_394 : vector<1024x1xi1>, vector<1024x1xi32>
      %select_n3A_396 = arith.select %ge3A_391, %add3A_382, %while3A_378 : vector<1024x1xi1>, vector<1024x1xi32>
      scf.yield %select_n3A_395, %select_n3A_396 : vector<1024x1xi32>, vector<1024x1xi32>
    }
    %le3A = vector.broadcast %while3A#1 : vector<1024x1xi32> to vector<1024x2048xi32>
    %le3A_72 = arith.cmpi sle, %select_n3A, %le3A : vector<1024x2048xi32>
    %convert_element_type3A = arith.extui %le3A_72 : vector<1024x2048xi1> to vector<1024x2048xi32>
    %reduce_sum3A = arith.constant dense<0> : vector<1024xi32>
    %reduce_sum3A_73 = vector.multi_reduction <add>, %convert_element_type3A, %reduce_sum3A [1] : vector<1024x2048xi32> to vector<1024xi32>
    %broadcast_in_dim3A_74 = vector.shape_cast %reduce_sum3A_73 : vector<1024xi32> to vector<1024x1xi32>
    %gt3A = arith.constant 32 : i32
    %gt3A_75 = vector.broadcast %gt3A : i32 to vector<1024x1xi32>
    %gt3A_76 = arith.cmpi sgt, %broadcast_in_dim3A_74, %gt3A_75 : vector<1024x1xi32>
    %reduce_or3A = arith.constant 1.000000e+00 : f32
    %reduce_or3A_77 = arith.constant 0.000000e+00 : f32
    %reduce_or3A_78 = vector.broadcast %reduce_or3A : f32 to vector<1024x1xf32>
    %reduce_or3A_79 = vector.broadcast %reduce_or3A_77 : f32 to vector<1024x1xf32>
    %reduce_or3A_80 = arith.select %gt3A_76, %reduce_or3A_78, %reduce_or3A_79 : vector<1024x1xi1>, vector<1024x1xf32>
    %reduce_or3A_81 = vector.shape_cast %reduce_or3A_80 : vector<1024x1xf32> to vector<1x1024x1xf32>
    %reduce_or3A_82 = arith.constant dense<0xFF800000> : vector<1xf32>
    %reduce_or3A_83 = vector.multi_reduction <maximumf>, %reduce_or3A_81, %reduce_or3A_82 [1, 2] : vector<1x1024x1xf32> to vector<1xf32>
    %reduce_or3A_84 = vector.shape_cast %reduce_or3A_83 : vector<1xf32> to vector<1x1x1xf32>
    %reduce_or3A_85 = vector.extract %reduce_or3A_84[0, 0, 0] : f32 from vector<1x1x1xf32>
    %reduce_or3A_86 = arith.constant 0.000000e+00 : f32
    %reduce_or3A_87 = arith.cmpf ogt, %reduce_or3A_85, %reduce_or3A_86 : f32
    %convert_element_type3A_88 = arith.extui %reduce_or3A_87 : i1 to i32
    %cond3A = arith.constant 0 : i32
    %cond3A_89 = arith.cmpi ne, %convert_element_type3A_88, %cond3A : i32
    %cond3A_90 = scf.if %cond3A_89 -> (vector<1024x1xi32>) {
      %lt3A_377 = vector.broadcast %while3A#1 : vector<1024x1xi32> to vector<1024x2048xi32>
      %lt3A_378 = arith.cmpi slt, %select_n3A, %lt3A_377 : vector<1024x2048xi32>
      %convert_element_type3A_379 = arith.extui %lt3A_378 : vector<1024x2048xi1> to vector<1024x2048xi32>
      %reduce_sum3A_380 = arith.constant dense<0> : vector<1024xi32>
      %reduce_sum3A_381 = vector.multi_reduction <add>, %convert_element_type3A_379, %reduce_sum3A_380 [1] : vector<1024x2048xi32> to vector<1024xi32>
      %broadcast_in_dim3A_382 = vector.shape_cast %reduce_sum3A_381 : vector<1024xi32> to vector<1024x1xi32>
      %sub3A_383 = arith.constant 32 : i32
      %sub3A_384 = vector.broadcast %sub3A_383 : i32 to vector<1024x1xi32>
      %sub3A_385 = arith.subi %sub3A_384, %broadcast_in_dim3A_382 : vector<1024x1xi32>
      %eq3A_386 = vector.broadcast %while3A#1 : vector<1024x1xi32> to vector<1024x2048xi32>
      %eq3A_387 = arith.cmpi eq, %select_n3A, %eq3A_386 : vector<1024x2048xi32>
      %broadcast_in_dim3A_388 = arith.constant 0 : i32
      %broadcast_in_dim3A_389 = vector.broadcast %broadcast_in_dim3A_388 : i32 to vector<1024x1xi32>
      %broadcast_in_dim3A_390 = arith.constant 2047 : i32
      %broadcast_in_dim3A_391 = vector.broadcast %broadcast_in_dim3A_390 : i32 to vector<1024x1xi32>
      %scan3A = arith.constant 0 : i32
      %scan3A_392 = arith.constant 11 : i32
      %scan3A_393 = arith.addi %scan3A, %scan3A_392 : i32
      %scan3A_394 = arith.constant 1 : i32
      %scan3A_395:2 = scf.for %scan3A_396 = %scan3A to %scan3A_393 step %scan3A_394 iter_args(%scan3A_397 = %broadcast_in_dim3A_389, %scan3A_398 = %broadcast_in_dim3A_391) -> (vector<1024x1xi32>, vector<1024x1xi32>)  : i32 {
        %sub3A_399 = arith.subi %scan3A_398, %scan3A_397 : vector<1024x1xi32>
        %shift_right_arithmetic3A = arith.constant 1 : i32
        %shift_right_arithmetic3A_400 = vector.broadcast %shift_right_arithmetic3A : i32 to vector<1024x1xi32>
        %shift_right_arithmetic3A_401 = arith.shrsi %sub3A_399, %shift_right_arithmetic3A_400 : vector<1024x1xi32>
        %add3A_402 = arith.addi %scan3A_397, %shift_right_arithmetic3A_401 : vector<1024x1xi32>
        %le3A_403 = vector.broadcast %add3A_402 : vector<1024x1xi32> to vector<1024x2048xi32>
        %le3A_404 = arith.cmpi sle, %iota3A, %le3A_403 : vector<1024x2048xi32>
        %and3A_405 = arith.andi %eq3A_387, %le3A_404 : vector<1024x2048xi1>
        %convert_element_type3A_406 = arith.extui %and3A_405 : vector<1024x2048xi1> to vector<1024x2048xi32>
        %reduce_sum3A_407 = arith.constant dense<0> : vector<1024xi32>
        %reduce_sum3A_408 = vector.multi_reduction <add>, %convert_element_type3A_406, %reduce_sum3A_407 [1] : vector<1024x2048xi32> to vector<1024xi32>
        %broadcast_in_dim3A_409 = vector.shape_cast %reduce_sum3A_408 : vector<1024xi32> to vector<1024x1xi32>
        %ge3A_410 = arith.cmpi sge, %broadcast_in_dim3A_409, %sub3A_385 : vector<1024x1xi32>
        %add3A_411 = arith.constant 1 : i32
        %add3A_412 = vector.broadcast %add3A_411 : i32 to vector<1024x1xi32>
        %add3A_413 = arith.addi %add3A_402, %add3A_412 : vector<1024x1xi32>
        %select_n3A_414 = arith.select %ge3A_410, %scan3A_397, %add3A_413 : vector<1024x1xi1>, vector<1024x1xi32>
        %select_n3A_415 = arith.select %ge3A_410, %add3A_402, %scan3A_398 : vector<1024x1xi1>, vector<1024x1xi32>
        scf.yield %select_n3A_414, %select_n3A_415 : vector<1024x1xi32>, vector<1024x1xi32>
      }
      scf.yield %scan3A_395#1 : vector<1024x1xi32>
    } else {
      %broadcast_in_dim3A_377 = arith.constant 2047 : i32
      %broadcast_in_dim3A_378 = vector.broadcast %broadcast_in_dim3A_377 : i32 to vector<1024x1xi32>
      scf.yield %broadcast_in_dim3A_378 : vector<1024x1xi32>
    }
    %lt3A = vector.broadcast %while3A#1 : vector<1024x1xi32> to vector<1024x2048xi32>
    %lt3A_91 = arith.cmpi slt, %select_n3A, %lt3A : vector<1024x2048xi32>
    %eq3A_92 = vector.broadcast %while3A#1 : vector<1024x1xi32> to vector<1024x2048xi32>
    %eq3A_93 = arith.cmpi eq, %select_n3A, %eq3A_92 : vector<1024x2048xi32>
    %le3A_94 = vector.broadcast %cond3A_90 : vector<1024x1xi32> to vector<1024x2048xi32>
    %le3A_95 = arith.cmpi sle, %iota3A, %le3A_94 : vector<1024x2048xi32>
    %and3A = arith.andi %eq3A_93, %le3A_95 : vector<1024x2048xi1>
    %or3A = arith.ori %lt3A_91, %and3A : vector<1024x2048xi1>
    %convert_element_type3A_96 = arith.extui %or3A : vector<1024x2048xi1> to vector<1024x2048xi32>
    %convert_element_type3A_97 = arith.sitofp %convert_element_type3A_96 : vector<1024x2048xi32> to vector<1024x2048xf32>
    %get3A_98 = arith.constant 0 : index
    %get3A_99 = arith.constant 0 : index
    %get3A_100 = arith.constant 0 : index
    %get3A_101 = vector.load %arg2[%get3A_98, %get3A_99, %get3A_100] : memref<1x1024x2056xf32, #tpu.memory_space<vmem>>, vector<1x1024x2048xf32>
    %get3A_102 = vector.shape_cast %get3A_101 : vector<1x1024x2048xf32> to vector<1024x2048xf32>
    %mul3A_103 = arith.mulf %get3A_102, %convert_element_type3A_97 : vector<1024x2048xf32>
    %eq3A_104 = arith.constant 0 : i32
    %eq3A_105 = arith.cmpi eq, %arg1, %eq3A_104 : i32
    %convert_element_type3A_106 = arith.extui %eq3A_105 : i1 to i32
    %cond3A_107 = arith.constant 0 : i32
    %cond3A_108 = arith.cmpi ne, %convert_element_type3A_106, %cond3A_107 : i32
    scf.if %cond3A_108 {
      %broadcast_in_dim3A_377 = arith.constant 0.000000e+00 : f32
      %broadcast_in_dim3A_378 = vector.broadcast %broadcast_in_dim3A_377 : f32 to vector<1x1x8x2048xf32>
      %swap3A_379 = arith.constant 0 : index
      %swap3A_380 = arith.constant 0 : index
      %swap3A_381 = arith.constant 0 : index
      %swap3A_382 = arith.constant 0 : index
      %swap3A_383 = vector.load %arg7[%swap3A_379, %swap3A_380, %swap3A_381, %swap3A_382] : memref<1x1x8x2048xf32, #tpu.memory_space<vmem>>, vector<1x1x8x2048xf32>
      tpu.vector_store %arg7[%swap3A_379, %swap3A_380, %swap3A_381, %swap3A_382], %broadcast_in_dim3A_378 {strides = array<i32>} : memref<1x1x8x2048xf32, #tpu.memory_space<vmem>>, vector<1x1x8x2048xf32>,
    } else {
    }
    %get3A_109 = arith.constant 0 : index
    %get3A_110 = arith.constant 0 : index
    %get3A_111 = arith.constant 0 : index
    %get3A_112 = arith.constant 0 : index
    %get3A_113 = vector.load %arg7[%get3A_109, %get3A_110, %get3A_111, %get3A_112] : memref<1x1x8x2048xf32, #tpu.memory_space<vmem>>, vector<1x1x8x2048xf32>
    %get3A_114 = vector.shape_cast %get3A_113 : vector<1x1x8x2048xf32> to vector<8x2048xf32>
    %slice3A_115 = vector.extract_strided_slice %mul3A_103 {offsets = [0, 0], sizes = [8, 2048], strides = [1, 1]} : vector<1024x2048xf32> to vector<8x2048xf32>
    %add3A_116 = arith.addf %get3A_114, %slice3A_115 : vector<8x2048xf32>
    %slice3A_117 = vector.extract_strided_slice %mul3A_103 {offsets = [8, 0], sizes = [8, 2048], strides = [1, 1]} : vector<1024x2048xf32> to vector<8x2048xf32>
    %add3A_118 = arith.addf %add3A_116, %slice3A_117 : vector<8x2048xf32>
    %slice3A_119 = vector.extract_strided_slice %mul3A_103 {offsets = [16, 0], sizes = [8, 2048], strides = [1, 1]} : vector<1024x2048xf32> to vector<8x2048xf32>
    %add3A_120 = arith.addf %add3A_118, %slice3A_119 : vector<8x2048xf32>
    %slice3A_121 = vector.extract_strided_slice %mul3A_103 {offsets = [24, 0], sizes = [8, 2048], strides = [1, 1]} : vector<1024x2048xf32> to vector<8x2048xf32>
    %add3A_122 = arith.addf %add3A_120, %slice3A_121 : vector<8x2048xf32>
    %slice3A_123 = vector.extract_strided_slice %mul3A_103 {offsets = [32, 0], sizes = [8, 2048], strides = [1, 1]} : vector<1024x2048xf32> to vector<8x2048xf32>
    %add3A_124 = arith.addf %add3A_122, %slice3A_123 : vector<8x2048xf32>
    %slice3A_125 = vector.extract_strided_slice %mul3A_103 {offsets = [40, 0], sizes = [8, 2048], strides = [1, 1]} : vector<1024x2048xf32> to vector<8x2048xf32>
    %add3A_126 = arith.addf %add3A_124, %slice3A_125 : vector<8x2048xf32>
    %slice3A_127 = vector.extract_strided_slice %mul3A_103 {offsets = [48, 0], sizes = [8, 2048], strides = [1, 1]} : vector<1024x2048xf32> to vector<8x2048xf32>
    %add3A_128 = arith.addf %add3A_126, %slice3A_127 : vector<8x2048xf32>
    %slice3A_129 = vector.extract_strided_slice %mul3A_103 {offsets = [56, 0], sizes = [8, 2048], strides = [1, 1]} : vector<1024x2048xf32> to vector<8x2048xf32>
    %add3A_130 = arith.addf %add3A_128, %slice3A_129 : vector<8x2048xf32>
    %slice3A_131 = vector.extract_strided_slice %mul3A_103 {offsets = [64, 0], sizes = [8, 2048], strides = [1, 1]} : vector<1024x2048xf32> to vector<8x2048xf32>
    %add3A_132 = arith.addf %add3A_130, %slice3A_131 : vector<8x2048xf32>
    %slice3A_133 = vector.extract_strided_slice %mul3A_103 {offsets = [72, 0], sizes = [8, 2048], strides = [1, 1]} : vector<1024x2048xf32> to vector<8x2048xf32>
    %add3A_134 = arith.addf %add3A_132, %slice3A_133 : vector<8x2048xf32>
    %slice3A_135 = vector.extract_strided_slice %mul3A_103 {offsets = [80, 0], sizes = [8, 2048], strides = [1, 1]} : vector<1024x2048xf32> to vector<8x2048xf32>
    %add3A_136 = arith.addf %add3A_134, %slice3A_135 : vector<8x2048xf32>
    %slice3A_137 = vector.extract_strided_slice %mul3A_103 {offsets = [88, 0], sizes = [8, 2048], strides = [1, 1]} : vector<1024x2048xf32> to vector<8x2048xf32>
    %add3A_138 = arith.addf %add3A_136, %slice3A_137 : vector<8x2048xf32>
    %slice3A_139 = vector.extract_strided_slice %mul3A_103 {offsets = [96, 0], sizes = [8, 2048], strides = [1, 1]} : vector<1024x2048xf32> to vector<8x2048xf32>
    %add3A_140 = arith.addf %add3A_138, %slice3A_139 : vector<8x2048xf32>
    %slice3A_141 = vector.extract_strided_slice %mul3A_103 {offsets = [104, 0], sizes = [8, 2048], strides = [1, 1]} : vector<1024x2048xf32> to vector<8x2048xf32>
    %add3A_142 = arith.addf %add3A_140, %slice3A_141 : vector<8x2048xf32>
    %slice3A_143 = vector.extract_strided_slice %mul3A_103 {offsets = [112, 0], sizes = [8, 2048], strides = [1, 1]} : vector<1024x2048xf32> to vector<8x2048xf32>
    %add3A_144 = arith.addf %add3A_142, %slice3A_143 : vector<8x2048xf32>
    %slice3A_145 = vector.extract_strided_slice %mul3A_103 {offsets = [120, 0], sizes = [8, 2048], strides = [1, 1]} : vector<1024x2048xf32> to vector<8x2048xf32>
    %add3A_146 = arith.addf %add3A_144, %slice3A_145 : vector<8x2048xf32>
    %slice3A_147 = vector.extract_strided_slice %mul3A_103 {offsets = [128, 0], sizes = [8, 2048], strides = [1, 1]} : vector<1024x2048xf32> to vector<8x2048xf32>
    %add3A_148 = arith.addf %add3A_146, %slice3A_147 : vector<8x2048xf32>
    %slice3A_149 = vector.extract_strided_slice %mul3A_103 {offsets = [136, 0], sizes = [8, 2048], strides = [1, 1]} : vector<1024x2048xf32> to vector<8x2048xf32>
    %add3A_150 = arith.addf %add3A_148, %slice3A_149 : vector<8x2048xf32>
    %slice3A_151 = vector.extract_strided_slice %mul3A_103 {offsets = [144, 0], sizes = [8, 2048], strides = [1, 1]} : vector<1024x2048xf32> to vector<8x2048xf32>
    %add3A_152 = arith.addf %add3A_150, %slice3A_151 : vector<8x2048xf32>
    %slice3A_153 = vector.extract_strided_slice %mul3A_103 {offsets = [152, 0], sizes = [8, 2048], strides = [1, 1]} : vector<1024x2048xf32> to vector<8x2048xf32>
    %add3A_154 = arith.addf %add3A_152, %slice3A_153 : vector<8x2048xf32>
    %slice3A_155 = vector.extract_strided_slice %mul3A_103 {offsets = [160, 0], sizes = [8, 2048], strides = [1, 1]} : vector<1024x2048xf32> to vector<8x2048xf32>
    %add3A_156 = arith.addf %add3A_154, %slice3A_155 : vector<8x2048xf32>
    %slice3A_157 = vector.extract_strided_slice %mul3A_103 {offsets = [168, 0], sizes = [8, 2048], strides = [1, 1]} : vector<1024x2048xf32> to vector<8x2048xf32>
    %add3A_158 = arith.addf %add3A_156, %slice3A_157 : vector<8x2048xf32>
    %slice3A_159 = vector.extract_strided_slice %mul3A_103 {offsets = [176, 0], sizes = [8, 2048], strides = [1, 1]} : vector<1024x2048xf32> to vector<8x2048xf32>
    %add3A_160 = arith.addf %add3A_158, %slice3A_159 : vector<8x2048xf32>
    %slice3A_161 = vector.extract_strided_slice %mul3A_103 {offsets = [184, 0], sizes = [8, 2048], strides = [1, 1]} : vector<1024x2048xf32> to vector<8x2048xf32>
    %add3A_162 = arith.addf %add3A_160, %slice3A_161 : vector<8x2048xf32>
    %slice3A_163 = vector.extract_strided_slice %mul3A_103 {offsets = [192, 0], sizes = [8, 2048], strides = [1, 1]} : vector<1024x2048xf32> to vector<8x2048xf32>
    %add3A_164 = arith.addf %add3A_162, %slice3A_163 : vector<8x2048xf32>
    %slice3A_165 = vector.extract_strided_slice %mul3A_103 {offsets = [200, 0], sizes = [8, 2048], strides = [1, 1]} : vector<1024x2048xf32> to vector<8x2048xf32>
    %add3A_166 = arith.addf %add3A_164, %slice3A_165 : vector<8x2048xf32>
    %slice3A_167 = vector.extract_strided_slice %mul3A_103 {offsets = [208, 0], sizes = [8, 2048], strides = [1, 1]} : vector<1024x2048xf32> to vector<8x2048xf32>
    %add3A_168 = arith.addf %add3A_166, %slice3A_167 : vector<8x2048xf32>
    %slice3A_169 = vector.extract_strided_slice %mul3A_103 {offsets = [216, 0], sizes = [8, 2048], strides = [1, 1]} : vector<1024x2048xf32> to vector<8x2048xf32>
    %add3A_170 = arith.addf %add3A_168, %slice3A_169 : vector<8x2048xf32>
    %slice3A_171 = vector.extract_strided_slice %mul3A_103 {offsets = [224, 0], sizes = [8, 2048], strides = [1, 1]} : vector<1024x2048xf32> to vector<8x2048xf32>
    %add3A_172 = arith.addf %add3A_170, %slice3A_171 : vector<8x2048xf32>
    %slice3A_173 = vector.extract_strided_slice %mul3A_103 {offsets = [232, 0], sizes = [8, 2048], strides = [1, 1]} : vector<1024x2048xf32> to vector<8x2048xf32>
    %add3A_174 = arith.addf %add3A_172, %slice3A_173 : vector<8x2048xf32>
    %slice3A_175 = vector.extract_strided_slice %mul3A_103 {offsets = [240, 0], sizes = [8, 2048], strides = [1, 1]} : vector<1024x2048xf32> to vector<8x2048xf32>
    %add3A_176 = arith.addf %add3A_174, %slice3A_175 : vector<8x2048xf32>
    %slice3A_177 = vector.extract_strided_slice %mul3A_103 {offsets = [248, 0], sizes = [8, 2048], strides = [1, 1]} : vector<1024x2048xf32> to vector<8x2048xf32>
    %add3A_178 = arith.addf %add3A_176, %slice3A_177 : vector<8x2048xf32>
    %slice3A_179 = vector.extract_strided_slice %mul3A_103 {offsets = [256, 0], sizes = [8, 2048], strides = [1, 1]} : vector<1024x2048xf32> to vector<8x2048xf32>
    %add3A_180 = arith.addf %add3A_178, %slice3A_179 : vector<8x2048xf32>
    %slice3A_181 = vector.extract_strided_slice %mul3A_103 {offsets = [264, 0], sizes = [8, 2048], strides = [1, 1]} : vector<1024x2048xf32> to vector<8x2048xf32>
    %add3A_182 = arith.addf %add3A_180, %slice3A_181 : vector<8x2048xf32>
    %slice3A_183 = vector.extract_strided_slice %mul3A_103 {offsets = [272, 0], sizes = [8, 2048], strides = [1, 1]} : vector<1024x2048xf32> to vector<8x2048xf32>
    %add3A_184 = arith.addf %add3A_182, %slice3A_183 : vector<8x2048xf32>
    %slice3A_185 = vector.extract_strided_slice %mul3A_103 {offsets = [280, 0], sizes = [8, 2048], strides = [1, 1]} : vector<1024x2048xf32> to vector<8x2048xf32>
    %add3A_186 = arith.addf %add3A_184, %slice3A_185 : vector<8x2048xf32>
    %slice3A_187 = vector.extract_strided_slice %mul3A_103 {offsets = [288, 0], sizes = [8, 2048], strides = [1, 1]} : vector<1024x2048xf32> to vector<8x2048xf32>
    %add3A_188 = arith.addf %add3A_186, %slice3A_187 : vector<8x2048xf32>
    %slice3A_189 = vector.extract_strided_slice %mul3A_103 {offsets = [296, 0], sizes = [8, 2048], strides = [1, 1]} : vector<1024x2048xf32> to vector<8x2048xf32>
    %add3A_190 = arith.addf %add3A_188, %slice3A_189 : vector<8x2048xf32>
    %slice3A_191 = vector.extract_strided_slice %mul3A_103 {offsets = [304, 0], sizes = [8, 2048], strides = [1, 1]} : vector<1024x2048xf32> to vector<8x2048xf32>
    %add3A_192 = arith.addf %add3A_190, %slice3A_191 : vector<8x2048xf32>
    %slice3A_193 = vector.extract_strided_slice %mul3A_103 {offsets = [312, 0], sizes = [8, 2048], strides = [1, 1]} : vector<1024x2048xf32> to vector<8x2048xf32>
    %add3A_194 = arith.addf %add3A_192, %slice3A_193 : vector<8x2048xf32>
    %slice3A_195 = vector.extract_strided_slice %mul3A_103 {offsets = [320, 0], sizes = [8, 2048], strides = [1, 1]} : vector<1024x2048xf32> to vector<8x2048xf32>
    %add3A_196 = arith.addf %add3A_194, %slice3A_195 : vector<8x2048xf32>
    %slice3A_197 = vector.extract_strided_slice %mul3A_103 {offsets = [328, 0], sizes = [8, 2048], strides = [1, 1]} : vector<1024x2048xf32> to vector<8x2048xf32>
    %add3A_198 = arith.addf %add3A_196, %slice3A_197 : vector<8x2048xf32>
    %slice3A_199 = vector.extract_strided_slice %mul3A_103 {offsets = [336, 0], sizes = [8, 2048], strides = [1, 1]} : vector<1024x2048xf32> to vector<8x2048xf32>
    %add3A_200 = arith.addf %add3A_198, %slice3A_199 : vector<8x2048xf32>
    %slice3A_201 = vector.extract_strided_slice %mul3A_103 {offsets = [344, 0], sizes = [8, 2048], strides = [1, 1]} : vector<1024x2048xf32> to vector<8x2048xf32>
    %add3A_202 = arith.addf %add3A_200, %slice3A_201 : vector<8x2048xf32>
    %slice3A_203 = vector.extract_strided_slice %mul3A_103 {offsets = [352, 0], sizes = [8, 2048], strides = [1, 1]} : vector<1024x2048xf32> to vector<8x2048xf32>
    %add3A_204 = arith.addf %add3A_202, %slice3A_203 : vector<8x2048xf32>
    %slice3A_205 = vector.extract_strided_slice %mul3A_103 {offsets = [360, 0], sizes = [8, 2048], strides = [1, 1]} : vector<1024x2048xf32> to vector<8x2048xf32>
    %add3A_206 = arith.addf %add3A_204, %slice3A_205 : vector<8x2048xf32>
    %slice3A_207 = vector.extract_strided_slice %mul3A_103 {offsets = [368, 0], sizes = [8, 2048], strides = [1, 1]} : vector<1024x2048xf32> to vector<8x2048xf32>
    %add3A_208 = arith.addf %add3A_206, %slice3A_207 : vector<8x2048xf32>
    %slice3A_209 = vector.extract_strided_slice %mul3A_103 {offsets = [376, 0], sizes = [8, 2048], strides = [1, 1]} : vector<1024x2048xf32> to vector<8x2048xf32>
    %add3A_210 = arith.addf %add3A_208, %slice3A_209 : vector<8x2048xf32>
    %slice3A_211 = vector.extract_strided_slice %mul3A_103 {offsets = [384, 0], sizes = [8, 2048], strides = [1, 1]} : vector<1024x2048xf32> to vector<8x2048xf32>
    %add3A_212 = arith.addf %add3A_210, %slice3A_211 : vector<8x2048xf32>
    %slice3A_213 = vector.extract_strided_slice %mul3A_103 {offsets = [392, 0], sizes = [8, 2048], strides = [1, 1]} : vector<1024x2048xf32> to vector<8x2048xf32>
    %add3A_214 = arith.addf %add3A_212, %slice3A_213 : vector<8x2048xf32>
    %slice3A_215 = vector.extract_strided_slice %mul3A_103 {offsets = [400, 0], sizes = [8, 2048], strides = [1, 1]} : vector<1024x2048xf32> to vector<8x2048xf32>
    %add3A_216 = arith.addf %add3A_214, %slice3A_215 : vector<8x2048xf32>
    %slice3A_217 = vector.extract_strided_slice %mul3A_103 {offsets = [408, 0], sizes = [8, 2048], strides = [1, 1]} : vector<1024x2048xf32> to vector<8x2048xf32>
    %add3A_218 = arith.addf %add3A_216, %slice3A_217 : vector<8x2048xf32>
    %slice3A_219 = vector.extract_strided_slice %mul3A_103 {offsets = [416, 0], sizes = [8, 2048], strides = [1, 1]} : vector<1024x2048xf32> to vector<8x2048xf32>
    %add3A_220 = arith.addf %add3A_218, %slice3A_219 : vector<8x2048xf32>
    %slice3A_221 = vector.extract_strided_slice %mul3A_103 {offsets = [424, 0], sizes = [8, 2048], strides = [1, 1]} : vector<1024x2048xf32> to vector<8x2048xf32>
    %add3A_222 = arith.addf %add3A_220, %slice3A_221 : vector<8x2048xf32>
    %slice3A_223 = vector.extract_strided_slice %mul3A_103 {offsets = [432, 0], sizes = [8, 2048], strides = [1, 1]} : vector<1024x2048xf32> to vector<8x2048xf32>
    %add3A_224 = arith.addf %add3A_222, %slice3A_223 : vector<8x2048xf32>
    %slice3A_225 = vector.extract_strided_slice %mul3A_103 {offsets = [440, 0], sizes = [8, 2048], strides = [1, 1]} : vector<1024x2048xf32> to vector<8x2048xf32>
    %add3A_226 = arith.addf %add3A_224, %slice3A_225 : vector<8x2048xf32>
    %slice3A_227 = vector.extract_strided_slice %mul3A_103 {offsets = [448, 0], sizes = [8, 2048], strides = [1, 1]} : vector<1024x2048xf32> to vector<8x2048xf32>
    %add3A_228 = arith.addf %add3A_226, %slice3A_227 : vector<8x2048xf32>
    %slice3A_229 = vector.extract_strided_slice %mul3A_103 {offsets = [456, 0], sizes = [8, 2048], strides = [1, 1]} : vector<1024x2048xf32> to vector<8x2048xf32>
    %add3A_230 = arith.addf %add3A_228, %slice3A_229 : vector<8x2048xf32>
    %slice3A_231 = vector.extract_strided_slice %mul3A_103 {offsets = [464, 0], sizes = [8, 2048], strides = [1, 1]} : vector<1024x2048xf32> to vector<8x2048xf32>
    %add3A_232 = arith.addf %add3A_230, %slice3A_231 : vector<8x2048xf32>
    %slice3A_233 = vector.extract_strided_slice %mul3A_103 {offsets = [472, 0], sizes = [8, 2048], strides = [1, 1]} : vector<1024x2048xf32> to vector<8x2048xf32>
    %add3A_234 = arith.addf %add3A_232, %slice3A_233 : vector<8x2048xf32>
    %slice3A_235 = vector.extract_strided_slice %mul3A_103 {offsets = [480, 0], sizes = [8, 2048], strides = [1, 1]} : vector<1024x2048xf32> to vector<8x2048xf32>
    %add3A_236 = arith.addf %add3A_234, %slice3A_235 : vector<8x2048xf32>
    %slice3A_237 = vector.extract_strided_slice %mul3A_103 {offsets = [488, 0], sizes = [8, 2048], strides = [1, 1]} : vector<1024x2048xf32> to vector<8x2048xf32>
    %add3A_238 = arith.addf %add3A_236, %slice3A_237 : vector<8x2048xf32>
    %slice3A_239 = vector.extract_strided_slice %mul3A_103 {offsets = [496, 0], sizes = [8, 2048], strides = [1, 1]} : vector<1024x2048xf32> to vector<8x2048xf32>
    %add3A_240 = arith.addf %add3A_238, %slice3A_239 : vector<8x2048xf32>
    %slice3A_241 = vector.extract_strided_slice %mul3A_103 {offsets = [504, 0], sizes = [8, 2048], strides = [1, 1]} : vector<1024x2048xf32> to vector<8x2048xf32>
    %add3A_242 = arith.addf %add3A_240, %slice3A_241 : vector<8x2048xf32>
    %slice3A_243 = vector.extract_strided_slice %mul3A_103 {offsets = [512, 0], sizes = [8, 2048], strides = [1, 1]} : vector<1024x2048xf32> to vector<8x2048xf32>
    %add3A_244 = arith.addf %add3A_242, %slice3A_243 : vector<8x2048xf32>
    %slice3A_245 = vector.extract_strided_slice %mul3A_103 {offsets = [520, 0], sizes = [8, 2048], strides = [1, 1]} : vector<1024x2048xf32> to vector<8x2048xf32>
    %add3A_246 = arith.addf %add3A_244, %slice3A_245 : vector<8x2048xf32>
    %slice3A_247 = vector.extract_strided_slice %mul3A_103 {offsets = [528, 0], sizes = [8, 2048], strides = [1, 1]} : vector<1024x2048xf32> to vector<8x2048xf32>
    %add3A_248 = arith.addf %add3A_246, %slice3A_247 : vector<8x2048xf32>
    %slice3A_249 = vector.extract_strided_slice %mul3A_103 {offsets = [536, 0], sizes = [8, 2048], strides = [1, 1]} : vector<1024x2048xf32> to vector<8x2048xf32>
    %add3A_250 = arith.addf %add3A_248, %slice3A_249 : vector<8x2048xf32>
    %slice3A_251 = vector.extract_strided_slice %mul3A_103 {offsets = [544, 0], sizes = [8, 2048], strides = [1, 1]} : vector<1024x2048xf32> to vector<8x2048xf32>
    %add3A_252 = arith.addf %add3A_250, %slice3A_251 : vector<8x2048xf32>
    %slice3A_253 = vector.extract_strided_slice %mul3A_103 {offsets = [552, 0], sizes = [8, 2048], strides = [1, 1]} : vector<1024x2048xf32> to vector<8x2048xf32>
    %add3A_254 = arith.addf %add3A_252, %slice3A_253 : vector<8x2048xf32>
    %slice3A_255 = vector.extract_strided_slice %mul3A_103 {offsets = [560, 0], sizes = [8, 2048], strides = [1, 1]} : vector<1024x2048xf32> to vector<8x2048xf32>
    %add3A_256 = arith.addf %add3A_254, %slice3A_255 : vector<8x2048xf32>
    %slice3A_257 = vector.extract_strided_slice %mul3A_103 {offsets = [568, 0], sizes = [8, 2048], strides = [1, 1]} : vector<1024x2048xf32> to vector<8x2048xf32>
    %add3A_258 = arith.addf %add3A_256, %slice3A_257 : vector<8x2048xf32>
    %slice3A_259 = vector.extract_strided_slice %mul3A_103 {offsets = [576, 0], sizes = [8, 2048], strides = [1, 1]} : vector<1024x2048xf32> to vector<8x2048xf32>
    %add3A_260 = arith.addf %add3A_258, %slice3A_259 : vector<8x2048xf32>
    %slice3A_261 = vector.extract_strided_slice %mul3A_103 {offsets = [584, 0], sizes = [8, 2048], strides = [1, 1]} : vector<1024x2048xf32> to vector<8x2048xf32>
    %add3A_262 = arith.addf %add3A_260, %slice3A_261 : vector<8x2048xf32>
    %slice3A_263 = vector.extract_strided_slice %mul3A_103 {offsets = [592, 0], sizes = [8, 2048], strides = [1, 1]} : vector<1024x2048xf32> to vector<8x2048xf32>
    %add3A_264 = arith.addf %add3A_262, %slice3A_263 : vector<8x2048xf32>
    %slice3A_265 = vector.extract_strided_slice %mul3A_103 {offsets = [600, 0], sizes = [8, 2048], strides = [1, 1]} : vector<1024x2048xf32> to vector<8x2048xf32>
    %add3A_266 = arith.addf %add3A_264, %slice3A_265 : vector<8x2048xf32>
    %slice3A_267 = vector.extract_strided_slice %mul3A_103 {offsets = [608, 0], sizes = [8, 2048], strides = [1, 1]} : vector<1024x2048xf32> to vector<8x2048xf32>
    %add3A_268 = arith.addf %add3A_266, %slice3A_267 : vector<8x2048xf32>
    %slice3A_269 = vector.extract_strided_slice %mul3A_103 {offsets = [616, 0], sizes = [8, 2048], strides = [1, 1]} : vector<1024x2048xf32> to vector<8x2048xf32>
    %add3A_270 = arith.addf %add3A_268, %slice3A_269 : vector<8x2048xf32>
    %slice3A_271 = vector.extract_strided_slice %mul3A_103 {offsets = [624, 0], sizes = [8, 2048], strides = [1, 1]} : vector<1024x2048xf32> to vector<8x2048xf32>
    %add3A_272 = arith.addf %add3A_270, %slice3A_271 : vector<8x2048xf32>
    %slice3A_273 = vector.extract_strided_slice %mul3A_103 {offsets = [632, 0], sizes = [8, 2048], strides = [1, 1]} : vector<1024x2048xf32> to vector<8x2048xf32>
    %add3A_274 = arith.addf %add3A_272, %slice3A_273 : vector<8x2048xf32>
    %slice3A_275 = vector.extract_strided_slice %mul3A_103 {offsets = [640, 0], sizes = [8, 2048], strides = [1, 1]} : vector<1024x2048xf32> to vector<8x2048xf32>
    %add3A_276 = arith.addf %add3A_274, %slice3A_275 : vector<8x2048xf32>
    %slice3A_277 = vector.extract_strided_slice %mul3A_103 {offsets = [648, 0], sizes = [8, 2048], strides = [1, 1]} : vector<1024x2048xf32> to vector<8x2048xf32>
    %add3A_278 = arith.addf %add3A_276, %slice3A_277 : vector<8x2048xf32>
    %slice3A_279 = vector.extract_strided_slice %mul3A_103 {offsets = [656, 0], sizes = [8, 2048], strides = [1, 1]} : vector<1024x2048xf32> to vector<8x2048xf32>
    %add3A_280 = arith.addf %add3A_278, %slice3A_279 : vector<8x2048xf32>
    %slice3A_281 = vector.extract_strided_slice %mul3A_103 {offsets = [664, 0], sizes = [8, 2048], strides = [1, 1]} : vector<1024x2048xf32> to vector<8x2048xf32>
    %add3A_282 = arith.addf %add3A_280, %slice3A_281 : vector<8x2048xf32>
    %slice3A_283 = vector.extract_strided_slice %mul3A_103 {offsets = [672, 0], sizes = [8, 2048], strides = [1, 1]} : vector<1024x2048xf32> to vector<8x2048xf32>
    %add3A_284 = arith.addf %add3A_282, %slice3A_283 : vector<8x2048xf32>
    %slice3A_285 = vector.extract_strided_slice %mul3A_103 {offsets = [680, 0], sizes = [8, 2048], strides = [1, 1]} : vector<1024x2048xf32> to vector<8x2048xf32>
    %add3A_286 = arith.addf %add3A_284, %slice3A_285 : vector<8x2048xf32>
    %slice3A_287 = vector.extract_strided_slice %mul3A_103 {offsets = [688, 0], sizes = [8, 2048], strides = [1, 1]} : vector<1024x2048xf32> to vector<8x2048xf32>
    %add3A_288 = arith.addf %add3A_286, %slice3A_287 : vector<8x2048xf32>
    %slice3A_289 = vector.extract_strided_slice %mul3A_103 {offsets = [696, 0], sizes = [8, 2048], strides = [1, 1]} : vector<1024x2048xf32> to vector<8x2048xf32>
    %add3A_290 = arith.addf %add3A_288, %slice3A_289 : vector<8x2048xf32>
    %slice3A_291 = vector.extract_strided_slice %mul3A_103 {offsets = [704, 0], sizes = [8, 2048], strides = [1, 1]} : vector<1024x2048xf32> to vector<8x2048xf32>
    %add3A_292 = arith.addf %add3A_290, %slice3A_291 : vector<8x2048xf32>
    %slice3A_293 = vector.extract_strided_slice %mul3A_103 {offsets = [712, 0], sizes = [8, 2048], strides = [1, 1]} : vector<1024x2048xf32> to vector<8x2048xf32>
    %add3A_294 = arith.addf %add3A_292, %slice3A_293 : vector<8x2048xf32>
    %slice3A_295 = vector.extract_strided_slice %mul3A_103 {offsets = [720, 0], sizes = [8, 2048], strides = [1, 1]} : vector<1024x2048xf32> to vector<8x2048xf32>
    %add3A_296 = arith.addf %add3A_294, %slice3A_295 : vector<8x2048xf32>
    %slice3A_297 = vector.extract_strided_slice %mul3A_103 {offsets = [728, 0], sizes = [8, 2048], strides = [1, 1]} : vector<1024x2048xf32> to vector<8x2048xf32>
    %add3A_298 = arith.addf %add3A_296, %slice3A_297 : vector<8x2048xf32>
    %slice3A_299 = vector.extract_strided_slice %mul3A_103 {offsets = [736, 0], sizes = [8, 2048], strides = [1, 1]} : vector<1024x2048xf32> to vector<8x2048xf32>
    %add3A_300 = arith.addf %add3A_298, %slice3A_299 : vector<8x2048xf32>
    %slice3A_301 = vector.extract_strided_slice %mul3A_103 {offsets = [744, 0], sizes = [8, 2048], strides = [1, 1]} : vector<1024x2048xf32> to vector<8x2048xf32>
    %add3A_302 = arith.addf %add3A_300, %slice3A_301 : vector<8x2048xf32>
    %slice3A_303 = vector.extract_strided_slice %mul3A_103 {offsets = [752, 0], sizes = [8, 2048], strides = [1, 1]} : vector<1024x2048xf32> to vector<8x2048xf32>
    %add3A_304 = arith.addf %add3A_302, %slice3A_303 : vector<8x2048xf32>
    %slice3A_305 = vector.extract_strided_slice %mul3A_103 {offsets = [760, 0], sizes = [8, 2048], strides = [1, 1]} : vector<1024x2048xf32> to vector<8x2048xf32>
    %add3A_306 = arith.addf %add3A_304, %slice3A_305 : vector<8x2048xf32>
    %slice3A_307 = vector.extract_strided_slice %mul3A_103 {offsets = [768, 0], sizes = [8, 2048], strides = [1, 1]} : vector<1024x2048xf32> to vector<8x2048xf32>
    %add3A_308 = arith.addf %add3A_306, %slice3A_307 : vector<8x2048xf32>
    %slice3A_309 = vector.extract_strided_slice %mul3A_103 {offsets = [776, 0], sizes = [8, 2048], strides = [1, 1]} : vector<1024x2048xf32> to vector<8x2048xf32>
    %add3A_310 = arith.addf %add3A_308, %slice3A_309 : vector<8x2048xf32>
    %slice3A_311 = vector.extract_strided_slice %mul3A_103 {offsets = [784, 0], sizes = [8, 2048], strides = [1, 1]} : vector<1024x2048xf32> to vector<8x2048xf32>
    %add3A_312 = arith.addf %add3A_310, %slice3A_311 : vector<8x2048xf32>
    %slice3A_313 = vector.extract_strided_slice %mul3A_103 {offsets = [792, 0], sizes = [8, 2048], strides = [1, 1]} : vector<1024x2048xf32> to vector<8x2048xf32>
    %add3A_314 = arith.addf %add3A_312, %slice3A_313 : vector<8x2048xf32>
    %slice3A_315 = vector.extract_strided_slice %mul3A_103 {offsets = [800, 0], sizes = [8, 2048], strides = [1, 1]} : vector<1024x2048xf32> to vector<8x2048xf32>
    %add3A_316 = arith.addf %add3A_314, %slice3A_315 : vector<8x2048xf32>
    %slice3A_317 = vector.extract_strided_slice %mul3A_103 {offsets = [808, 0], sizes = [8, 2048], strides = [1, 1]} : vector<1024x2048xf32> to vector<8x2048xf32>
    %add3A_318 = arith.addf %add3A_316, %slice3A_317 : vector<8x2048xf32>
    %slice3A_319 = vector.extract_strided_slice %mul3A_103 {offsets = [816, 0], sizes = [8, 2048], strides = [1, 1]} : vector<1024x2048xf32> to vector<8x2048xf32>
    %add3A_320 = arith.addf %add3A_318, %slice3A_319 : vector<8x2048xf32>
    %slice3A_321 = vector.extract_strided_slice %mul3A_103 {offsets = [824, 0], sizes = [8, 2048], strides = [1, 1]} : vector<1024x2048xf32> to vector<8x2048xf32>
    %add3A_322 = arith.addf %add3A_320, %slice3A_321 : vector<8x2048xf32>
    %slice3A_323 = vector.extract_strided_slice %mul3A_103 {offsets = [832, 0], sizes = [8, 2048], strides = [1, 1]} : vector<1024x2048xf32> to vector<8x2048xf32>
    %add3A_324 = arith.addf %add3A_322, %slice3A_323 : vector<8x2048xf32>
    %slice3A_325 = vector.extract_strided_slice %mul3A_103 {offsets = [840, 0], sizes = [8, 2048], strides = [1, 1]} : vector<1024x2048xf32> to vector<8x2048xf32>
    %add3A_326 = arith.addf %add3A_324, %slice3A_325 : vector<8x2048xf32>
    %slice3A_327 = vector.extract_strided_slice %mul3A_103 {offsets = [848, 0], sizes = [8, 2048], strides = [1, 1]} : vector<1024x2048xf32> to vector<8x2048xf32>
    %add3A_328 = arith.addf %add3A_326, %slice3A_327 : vector<8x2048xf32>
    %slice3A_329 = vector.extract_strided_slice %mul3A_103 {offsets = [856, 0], sizes = [8, 2048], strides = [1, 1]} : vector<1024x2048xf32> to vector<8x2048xf32>
    %add3A_330 = arith.addf %add3A_328, %slice3A_329 : vector<8x2048xf32>
    %slice3A_331 = vector.extract_strided_slice %mul3A_103 {offsets = [864, 0], sizes = [8, 2048], strides = [1, 1]} : vector<1024x2048xf32> to vector<8x2048xf32>
    %add3A_332 = arith.addf %add3A_330, %slice3A_331 : vector<8x2048xf32>
    %slice3A_333 = vector.extract_strided_slice %mul3A_103 {offsets = [872, 0], sizes = [8, 2048], strides = [1, 1]} : vector<1024x2048xf32> to vector<8x2048xf32>
    %add3A_334 = arith.addf %add3A_332, %slice3A_333 : vector<8x2048xf32>
    %slice3A_335 = vector.extract_strided_slice %mul3A_103 {offsets = [880, 0], sizes = [8, 2048], strides = [1, 1]} : vector<1024x2048xf32> to vector<8x2048xf32>
    %add3A_336 = arith.addf %add3A_334, %slice3A_335 : vector<8x2048xf32>
    %slice3A_337 = vector.extract_strided_slice %mul3A_103 {offsets = [888, 0], sizes = [8, 2048], strides = [1, 1]} : vector<1024x2048xf32> to vector<8x2048xf32>
    %add3A_338 = arith.addf %add3A_336, %slice3A_337 : vector<8x2048xf32>
    %slice3A_339 = vector.extract_strided_slice %mul3A_103 {offsets = [896, 0], sizes = [8, 2048], strides = [1, 1]} : vector<1024x2048xf32> to vector<8x2048xf32>
    %add3A_340 = arith.addf %add3A_338, %slice3A_339 : vector<8x2048xf32>
    %slice3A_341 = vector.extract_strided_slice %mul3A_103 {offsets = [904, 0], sizes = [8, 2048], strides = [1, 1]} : vector<1024x2048xf32> to vector<8x2048xf32>
    %add3A_342 = arith.addf %add3A_340, %slice3A_341 : vector<8x2048xf32>
    %slice3A_343 = vector.extract_strided_slice %mul3A_103 {offsets = [912, 0], sizes = [8, 2048], strides = [1, 1]} : vector<1024x2048xf32> to vector<8x2048xf32>
    %add3A_344 = arith.addf %add3A_342, %slice3A_343 : vector<8x2048xf32>
    %slice3A_345 = vector.extract_strided_slice %mul3A_103 {offsets = [920, 0], sizes = [8, 2048], strides = [1, 1]} : vector<1024x2048xf32> to vector<8x2048xf32>
    %add3A_346 = arith.addf %add3A_344, %slice3A_345 : vector<8x2048xf32>
    %slice3A_347 = vector.extract_strided_slice %mul3A_103 {offsets = [928, 0], sizes = [8, 2048], strides = [1, 1]} : vector<1024x2048xf32> to vector<8x2048xf32>
    %add3A_348 = arith.addf %add3A_346, %slice3A_347 : vector<8x2048xf32>
    %slice3A_349 = vector.extract_strided_slice %mul3A_103 {offsets = [936, 0], sizes = [8, 2048], strides = [1, 1]} : vector<1024x2048xf32> to vector<8x2048xf32>
    %add3A_350 = arith.addf %add3A_348, %slice3A_349 : vector<8x2048xf32>
    %slice3A_351 = vector.extract_strided_slice %mul3A_103 {offsets = [944, 0], sizes = [8, 2048], strides = [1, 1]} : vector<1024x2048xf32> to vector<8x2048xf32>
    %add3A_352 = arith.addf %add3A_350, %slice3A_351 : vector<8x2048xf32>
    %slice3A_353 = vector.extract_strided_slice %mul3A_103 {offsets = [952, 0], sizes = [8, 2048], strides = [1, 1]} : vector<1024x2048xf32> to vector<8x2048xf32>
    %add3A_354 = arith.addf %add3A_352, %slice3A_353 : vector<8x2048xf32>
    %slice3A_355 = vector.extract_strided_slice %mul3A_103 {offsets = [960, 0], sizes = [8, 2048], strides = [1, 1]} : vector<1024x2048xf32> to vector<8x2048xf32>
    %add3A_356 = arith.addf %add3A_354, %slice3A_355 : vector<8x2048xf32>
    %slice3A_357 = vector.extract_strided_slice %mul3A_103 {offsets = [968, 0], sizes = [8, 2048], strides = [1, 1]} : vector<1024x2048xf32> to vector<8x2048xf32>
    %add3A_358 = arith.addf %add3A_356, %slice3A_357 : vector<8x2048xf32>
    %slice3A_359 = vector.extract_strided_slice %mul3A_103 {offsets = [976, 0], sizes = [8, 2048], strides = [1, 1]} : vector<1024x2048xf32> to vector<8x2048xf32>
    %add3A_360 = arith.addf %add3A_358, %slice3A_359 : vector<8x2048xf32>
    %slice3A_361 = vector.extract_strided_slice %mul3A_103 {offsets = [984, 0], sizes = [8, 2048], strides = [1, 1]} : vector<1024x2048xf32> to vector<8x2048xf32>
    %add3A_362 = arith.addf %add3A_360, %slice3A_361 : vector<8x2048xf32>
    %slice3A_363 = vector.extract_strided_slice %mul3A_103 {offsets = [992, 0], sizes = [8, 2048], strides = [1, 1]} : vector<1024x2048xf32> to vector<8x2048xf32>
    %add3A_364 = arith.addf %add3A_362, %slice3A_363 : vector<8x2048xf32>
    %slice3A_365 = vector.extract_strided_slice %mul3A_103 {offsets = [1000, 0], sizes = [8, 2048], strides = [1, 1]} : vector<1024x2048xf32> to vector<8x2048xf32>
    %add3A_366 = arith.addf %add3A_364, %slice3A_365 : vector<8x2048xf32>
    %slice3A_367 = vector.extract_strided_slice %mul3A_103 {offsets = [1008, 0], sizes = [8, 2048], strides = [1, 1]} : vector<1024x2048xf32> to vector<8x2048xf32>
    %add3A_368 = arith.addf %add3A_366, %slice3A_367 : vector<8x2048xf32>
    %slice3A_369 = vector.extract_strided_slice %mul3A_103 {offsets = [1016, 0], sizes = [8, 2048], strides = [1, 1]} : vector<1024x2048xf32> to vector<8x2048xf32>
    %add3A_370 = arith.addf %add3A_368, %slice3A_369 : vector<8x2048xf32>
    %swap3A = arith.constant 0 : index
    %swap3A_371 = arith.constant 0 : index
    %swap3A_372 = arith.constant 0 : index
    %swap3A_373 = arith.constant 0 : index
    %swap3A_374 = vector.load %arg7[%swap3A, %swap3A_371, %swap3A_372, %swap3A_373] : memref<1x1x8x2048xf32, #tpu.memory_space<vmem>>, vector<1x1x8x2048xf32>
    %swap3A_375 = vector.shape_cast %swap3A_374 : vector<1x1x8x2048xf32> to vector<8x2048xf32>
    %swap3A_376 = vector.shape_cast %add3A_370 : vector<8x2048xf32> to vector<1x1x8x2048xf32>
    tpu.vector_store %arg7[%swap3A, %swap3A_371, %swap3A_372, %swap3A_373], %swap3A_376 {strides = array<i32>} : memref<1x1x8x2048xf32, #tpu.memory_space<vmem>>, vector<1x1x8x2048xf32>,
    return
  }
  func.func @transform_0(%arg0: i32, %arg1: i32) -> (i32, i32, i32) {
    %c0_i32 = arith.constant 0 : i32
    %c0_i32_0 = arith.constant 0 : i32
    return %arg0, %arg1, %c0_i32 : i32, i32, i32
  }
  func.func @transform_1(%arg0: i32, %arg1: i32) -> (i32, i32, i32) {
    %c0_i32 = arith.constant 0 : i32
    %c0_i32_0 = arith.constant 0 : i32
    return %arg0, %arg1, %c0_i32 : i32, i32, i32
  }
  func.func @transform_2(%arg0: i32, %arg1: i32) -> (i32, i32, i32) {
    %c0_i32 = arith.constant 0 : i32
    %c0_i32_0 = arith.constant 0 : i32
    %c0_i32_1 = arith.constant 0 : i32
    return %arg0, %c0_i32, %c0_i32_0 : i32, i32, i32
  }
  func.func @transform_3(%arg0: i32, %arg1: i32) -> (i32, i32, i32) {
    %c0_i32 = arith.constant 0 : i32
    %c0_i32_0 = arith.constant 0 : i32
    return %arg0, %arg1, %c0_i32 : i32, i32, i32
  }
  func.func @transform_4(%arg0: i32, %arg1: i32) -> (i32, i32, i32) {
    %c0_i32 = arith.constant 0 : i32
    %c0_i32_0 = arith.constant 0 : i32
    %c0_i32_1 = arith.constant 0 : i32
    return %arg0, %c0_i32, %c0_i32_0 : i32, i32, i32
  }
  func.func @transform_5(%arg0: i32, %arg1: i32) -> (i32, i32, i32, i32) {
    %c0_i32 = arith.constant 0 : i32
    %c0_i32_0 = arith.constant 0 : i32
    %c0_i32_1 = arith.constant 0 : i32
    %c0_i32_2 = arith.constant 0 : i32
    return %arg0, %c0_i32, %c0_i32_0, %c0_i32_1 : i32, i32, i32, i32
  }
}

module attributes {stable_mosaic.version = 14 : i64} {
  func.func @_select_body(%arg0: i32, %arg1: i32, %arg2: memref<1x1x2048xf32, #tpu.memory_space<vmem>>, %arg3: memref<1x256x1xf32, #tpu.memory_space<vmem>>, %arg4: memref<1x1x16xi32, #tpu.memory_space<vmem>>, %arg5: memref<1x1x256xi32, #tpu.memory_space<vmem>>) attributes {dimension_semantics = [#tpu.dimension_semantics<arbitrary>, #tpu.dimension_semantics<arbitrary>], iteration_bounds = array<i64: 4, 8>, scalar_prefetch = 0 : i64, scratch_operands = 0 : i64, tpu.core_type = #tpu.core_type<tc>, window_params = [{transform_indices = @transform_0, window_bounds = array<i64: 1, 1, 2048>}, {transform_indices = @transform_1, window_bounds = array<i64: 1, 256, 1>}, {transform_indices = @transform_2, window_bounds = array<i64: 1, 1, 16>}, {transform_indices = @transform_3, window_bounds = array<i64: 1, 1, 256>}]} {
    %get3A = arith.constant 0 : index
    %get3A_0 = arith.constant 0 : index
    %get3A_1 = arith.constant 0 : index
    %get3A_2 = vector.load %arg2[%get3A, %get3A_0, %get3A_1] : memref<1x1x2048xf32, #tpu.memory_space<vmem>>, vector<1x1x2048xf32>
    %get3A_3 = vector.shape_cast %get3A_2 : vector<1x1x2048xf32> to vector<1x2048xf32>
    %get3A_4 = arith.constant 0 : index
    %get3A_5 = arith.constant 0 : index
    %get3A_6 = arith.constant 0 : index
    %get3A_7 = vector.load %arg3[%get3A_4, %get3A_5, %get3A_6] : memref<1x256x1xf32, #tpu.memory_space<vmem>>, vector<1x256x1xf32>
    %get3A_8 = vector.shape_cast %get3A_7 : vector<1x256x1xf32> to vector<256x1xf32>
    %get3A_9 = arith.constant 0 : index
    %get3A_10 = arith.constant 0 : index
    %get3A_11 = arith.constant 0 : index
    %get3A_12 = vector.load %arg4[%get3A_9, %get3A_10, %get3A_11] : memref<1x1x16xi32, #tpu.memory_space<vmem>>, vector<1x1x16xi32>
    %get3A_13 = vector.shape_cast %get3A_12 : vector<1x1x16xi32> to vector<1x16xi32>
    %iota3A = tpu.iota {dimensions = array<i32: 1>} : vector<256x2048xi32>
    %iota3A_14 = tpu.iota {dimensions = array<i32: 0>} : vector<256x1xi32>
    %mul3A = arith.constant 256 : i32
    %mul3A_15 = arith.muli %arg1, %mul3A : i32
    %add3A = vector.broadcast %mul3A_15 : i32 to vector<256x1xi32>
    %add3A_16 = arith.addi %iota3A_14, %add3A : vector<256x1xi32>
    %gt3A = vector.broadcast %get3A_3 : vector<1x2048xf32> to vector<256x2048xf32>
    %gt3A_17 = vector.broadcast %get3A_8 : vector<256x1xf32> to vector<256x2048xf32>
    %gt3A_18 = arith.cmpf ogt, %gt3A, %gt3A_17 : vector<256x2048xf32>
    %convert_element_type3A = arith.extui %gt3A_18 : vector<256x2048xi1> to vector<256x2048xi32>
    %eq3A = vector.broadcast %get3A_3 : vector<1x2048xf32> to vector<256x2048xf32>
    %eq3A_19 = vector.broadcast %get3A_8 : vector<256x1xf32> to vector<256x2048xf32>
    %eq3A_20 = arith.cmpf oeq, %eq3A, %eq3A_19 : vector<256x2048xf32>
    %lt3A = vector.broadcast %add3A_16 : vector<256x1xi32> to vector<256x2048xi32>
    %lt3A_21 = arith.cmpi slt, %iota3A, %lt3A : vector<256x2048xi32>
    %and3A = arith.andi %eq3A_20, %lt3A_21 : vector<256x2048xi1>
    %convert_element_type3A_22 = arith.extui %and3A : vector<256x2048xi1> to vector<256x2048xi32>
    %add3A_23 = arith.addi %convert_element_type3A, %convert_element_type3A_22 : vector<256x2048xi32>
    %reduce_sum3A = arith.constant dense<0> : vector<256xi32>
    %reduce_sum3A_24 = vector.multi_reduction <add>, %add3A_23, %reduce_sum3A [1] : vector<256x2048xi32> to vector<256xi32>
    %broadcast_in_dim3A = vector.shape_cast %reduce_sum3A_24 : vector<256xi32> to vector<256x1xi32>
    %shift_right_arithmetic3A = arith.constant 8 : i32
    %shift_right_arithmetic3A_25 = vector.broadcast %shift_right_arithmetic3A : i32 to vector<256x1xi32>
    %shift_right_arithmetic3A_26 = arith.shrsi %broadcast_in_dim3A, %shift_right_arithmetic3A_25 : vector<256x1xi32>
    %and3A_27 = arith.constant 255 : i32
    %and3A_28 = vector.broadcast %and3A_27 : i32 to vector<256x1xi32>
    %and3A_29 = arith.andi %broadcast_in_dim3A, %and3A_28 : vector<256x1xi32>
    %iota3A_30 = tpu.iota {dimensions = array<i32: 1>} : vector<256x16xi32>
    %eq3A_31 = vector.broadcast %shift_right_arithmetic3A_26 : vector<256x1xi32> to vector<256x16xi32>
    %eq3A_32 = arith.cmpi eq, %iota3A_30, %eq3A_31 : vector<256x16xi32>
    %jit3A = arith.constant 0 : i32
    %broadcast_in_dim3A_33 = vector.shape_cast %get3A_13 : vector<1x16xi32> to vector<1x16xi32>
    %broadcast_in_dim3A_34 = vector.broadcast %broadcast_in_dim3A_33 : vector<1x16xi32> to vector<256x16xi32>
    %broadcast_in_dim3A_35 = vector.broadcast %jit3A : i32 to vector<256x16xi32>
    %select_n3A = arith.select %eq3A_32, %broadcast_in_dim3A_34, %broadcast_in_dim3A_35 : vector<256x16xi1>, vector<256x16xi32>
    %reduce_sum3A_36 = arith.constant dense<0> : vector<256xi32>
    %reduce_sum3A_37 = vector.multi_reduction <add>, %select_n3A, %reduce_sum3A_36 [1] : vector<256x16xi32> to vector<256xi32>
    %broadcast_in_dim3A_38 = vector.shape_cast %reduce_sum3A_37 : vector<256xi32> to vector<256x1xi32>
    %add3A_39 = arith.constant 1 : i32
    %add3A_40 = vector.broadcast %add3A_39 : i32 to vector<256x1xi32>
    %add3A_41 = arith.addi %shift_right_arithmetic3A_26, %add3A_40 : vector<256x1xi32>
    %eq3A_42 = vector.broadcast %add3A_41 : vector<256x1xi32> to vector<256x16xi32>
    %eq3A_43 = arith.cmpi eq, %iota3A_30, %eq3A_42 : vector<256x16xi32>
    %jit3A_44 = arith.constant 0 : i32
    %broadcast_in_dim3A_45 = vector.shape_cast %get3A_13 : vector<1x16xi32> to vector<1x16xi32>
    %broadcast_in_dim3A_46 = vector.broadcast %broadcast_in_dim3A_45 : vector<1x16xi32> to vector<256x16xi32>
    %broadcast_in_dim3A_47 = vector.broadcast %jit3A_44 : i32 to vector<256x16xi32>
    %select_n3A_48 = arith.select %eq3A_43, %broadcast_in_dim3A_46, %broadcast_in_dim3A_47 : vector<256x16xi1>, vector<256x16xi32>
    %reduce_sum3A_49 = arith.constant dense<0> : vector<256xi32>
    %reduce_sum3A_50 = vector.multi_reduction <add>, %select_n3A_48, %reduce_sum3A_49 [1] : vector<256x16xi32> to vector<256xi32>
    %broadcast_in_dim3A_51 = vector.shape_cast %reduce_sum3A_50 : vector<256xi32> to vector<256x1xi32>
    %sub3A = arith.subi %broadcast_in_dim3A_51, %broadcast_in_dim3A_38 : vector<256x1xi32>
    %lt3A_52 = arith.cmpi slt, %and3A_29, %sub3A : vector<256x1xi32>
    %add3A_53 = arith.addi %broadcast_in_dim3A_38, %and3A_29 : vector<256x1xi32>
    %iota3A_54 = tpu.iota {dimensions = array<i32: 1>} : vector<1x16xi32>
    %eq3A_55 = arith.constant 8 : i32
    %eq3A_56 = vector.broadcast %eq3A_55 : i32 to vector<1x16xi32>
    %eq3A_57 = arith.cmpi eq, %iota3A_54, %eq3A_56 : vector<1x16xi32>
    %get3A_58 = arith.constant 0 : index
    %get3A_59 = arith.constant 0 : index
    %get3A_60 = arith.constant 0 : index
    %get3A_61 = vector.load %arg4[%get3A_58, %get3A_59, %get3A_60] : memref<1x1x16xi32, #tpu.memory_space<vmem>>, vector<1x1x16xi32>
    %get3A_62 = vector.shape_cast %get3A_61 : vector<1x1x16xi32> to vector<1x16xi32>
    %jit3A_63 = arith.constant 0 : i32
    %broadcast_in_dim3A_64 = vector.broadcast %jit3A_63 : i32 to vector<1x16xi32>
    %select_n3A_65 = arith.select %eq3A_57, %get3A_62, %broadcast_in_dim3A_64 : vector<1x16xi1>, vector<1x16xi32>
    %reduce_sum3A_66 = arith.constant dense<0> : vector<1xi32>
    %reduce_sum3A_67 = vector.multi_reduction <add>, %select_n3A_65, %reduce_sum3A_66 [1] : vector<1x16xi32> to vector<1xi32>
    %broadcast_in_dim3A_68 = vector.shape_cast %reduce_sum3A_67 : vector<1xi32> to vector<1x1xi32>
    %iota3A_69 = tpu.iota {dimensions = array<i32: 1>} : vector<256x256xi32>
    %eq3A_70 = vector.broadcast %add3A_53 : vector<256x1xi32> to vector<256x256xi32>
    %eq3A_71 = arith.cmpi eq, %iota3A_69, %eq3A_70 : vector<256x256xi32>
    %and3A_72 = vector.broadcast %lt3A_52 : vector<256x1xi1> to vector<256x256xi1>
    %and3A_73 = arith.andi %and3A_72, %eq3A_71 : vector<256x256xi1>
    %add3A_74 = vector.broadcast %broadcast_in_dim3A_68 : vector<1x1xi32> to vector<256x1xi32>
    %add3A_75 = arith.addi %broadcast_in_dim3A, %add3A_74 : vector<256x1xi32>
    %eq3A_76 = vector.broadcast %add3A_75 : vector<256x1xi32> to vector<256x256xi32>
    %eq3A_77 = arith.cmpi eq, %iota3A_69, %eq3A_76 : vector<256x256xi32>
    %convert_element_type3A_78 = arith.extui %and3A_73 : vector<256x256xi1> to vector<256x256xi32>
    %convert_element_type3A_79 = arith.extui %eq3A_77 : vector<256x256xi1> to vector<256x256xi32>
    %add3A_80 = arith.addi %convert_element_type3A_78, %convert_element_type3A_79 : vector<256x256xi32>
    %mul3A_81 = vector.broadcast %add3A_16 : vector<256x1xi32> to vector<256x256xi32>
    %mul3A_82 = arith.muli %mul3A_81, %add3A_80 : vector<256x256xi32>
    %reduce_sum3A_83 = arith.constant dense<0> : vector<256xi32>
    %reduce_sum3A_84 = vector.multi_reduction <add>, %mul3A_82, %reduce_sum3A_83 [0] : vector<256x256xi32> to vector<256xi32>
    %broadcast_in_dim3A_85 = vector.shape_cast %reduce_sum3A_84 : vector<256xi32> to vector<1x256xi32>
    %eq3A_86 = arith.constant 0 : i32
    %eq3A_87 = arith.cmpi eq, %arg1, %eq3A_86 : i32
    %convert_element_type3A_88 = arith.extui %eq3A_87 : i1 to i32
    %cond3A = arith.constant 0 : i32
    %cond3A_89 = arith.cmpi ne, %convert_element_type3A_88, %cond3A : i32
    scf.if %cond3A_89 {
      %broadcast_in_dim3A_101 = arith.constant 0 : i32
      %broadcast_in_dim3A_102 = vector.broadcast %broadcast_in_dim3A_101 : i32 to vector<1x256xi32>
      %swap3A_103 = arith.constant 0 : index
      %swap3A_104 = arith.constant 0 : index
      %swap3A_105 = arith.constant 0 : index
      %swap3A_106 = vector.load %arg5[%swap3A_103, %swap3A_104, %swap3A_105] : memref<1x1x256xi32, #tpu.memory_space<vmem>>, vector<1x1x256xi32>
      %swap3A_107 = vector.shape_cast %swap3A_106 : vector<1x1x256xi32> to vector<1x256xi32>
      %swap3A_108 = vector.shape_cast %broadcast_in_dim3A_102 : vector<1x256xi32> to vector<1x1x256xi32>
      tpu.vector_store %arg5[%swap3A_103, %swap3A_104, %swap3A_105], %swap3A_108 {strides = array<i32>} : memref<1x1x256xi32, #tpu.memory_space<vmem>>, vector<1x1x256xi32>,
    } else {
    }
    %get3A_90 = arith.constant 0 : index
    %get3A_91 = arith.constant 0 : index
    %get3A_92 = arith.constant 0 : index
    %get3A_93 = vector.load %arg5[%get3A_90, %get3A_91, %get3A_92] : memref<1x1x256xi32, #tpu.memory_space<vmem>>, vector<1x1x256xi32>
    %get3A_94 = vector.shape_cast %get3A_93 : vector<1x1x256xi32> to vector<1x256xi32>
    %add3A_95 = arith.addi %get3A_94, %broadcast_in_dim3A_85 : vector<1x256xi32>
    %swap3A = arith.constant 0 : index
    %swap3A_96 = arith.constant 0 : index
    %swap3A_97 = arith.constant 0 : index
    %swap3A_98 = vector.load %arg5[%swap3A, %swap3A_96, %swap3A_97] : memref<1x1x256xi32, #tpu.memory_space<vmem>>, vector<1x1x256xi32>
    %swap3A_99 = vector.shape_cast %swap3A_98 : vector<1x1x256xi32> to vector<1x256xi32>
    %swap3A_100 = vector.shape_cast %add3A_95 : vector<1x256xi32> to vector<1x1x256xi32>
    tpu.vector_store %arg5[%swap3A, %swap3A_96, %swap3A_97], %swap3A_100 {strides = array<i32>} : memref<1x1x256xi32, #tpu.memory_space<vmem>>, vector<1x1x256xi32>,
    return
  }
  func.func @transform_0(%arg0: i32, %arg1: i32) -> (i32, i32, i32) {
    %c0_i32 = arith.constant 0 : i32
    %c0_i32_0 = arith.constant 0 : i32
    %c0_i32_1 = arith.constant 0 : i32
    return %arg0, %c0_i32, %c0_i32_0 : i32, i32, i32
  }
  func.func @transform_1(%arg0: i32, %arg1: i32) -> (i32, i32, i32) {
    %c0_i32 = arith.constant 0 : i32
    %c0_i32_0 = arith.constant 0 : i32
    return %arg0, %arg1, %c0_i32 : i32, i32, i32
  }
  func.func @transform_2(%arg0: i32, %arg1: i32) -> (i32, i32, i32) {
    %c0_i32 = arith.constant 0 : i32
    %c0_i32_0 = arith.constant 0 : i32
    %c0_i32_1 = arith.constant 0 : i32
    return %arg0, %c0_i32, %c0_i32_0 : i32, i32, i32
  }
  func.func @transform_3(%arg0: i32, %arg1: i32) -> (i32, i32, i32) {
    %c0_i32 = arith.constant 0 : i32
    %c0_i32_0 = arith.constant 0 : i32
    %c0_i32_1 = arith.constant 0 : i32
    return %arg0, %c0_i32, %c0_i32_0 : i32, i32, i32
  }
}

</mosaic_0001>

<sc_bundles>
// kernel: kernel.5.cloned.1.call-start
scs
__scs_entry_jumppad:
0x0: {  	(pc) =	sbr.rel $0x88, $3  }
0x1: {  	(tag) =	ssettag $0x0;
	lr =	simm.s32 $0x1  }
0x2: {  	[smem:$0x3F9B] =	sst lr;
	_ =	strace $0xD0000000  }
0x3: {  	_ = 	snop  }
0x4: {  	_ = 	snop  }
0x5: {  	_ = 	snop  }
0x6: {  	_ = 	snop  }
0x7: {  	_ = 	snop  }
__scs_overlays_trampoline_lowered:
0x8: {  	[smem:$0x3FAA] =	sst s0  }
0x9: {  	[smem:$0x3FAB] =	sst s1  }
0xa: {  	[smem:$0x3FAC] =	sst s2  }
0xb: {  	[smem:$0x3FAD] =	sst s3  }
0xc: {  	[smem:$0x3FAE] =	sst s4  }
0xd: {  	[smem:$0x3FAF] =	sst s5  }
0xe: {  	[smem:$0x3FB0] =	sst s6  }
0xf: {  	[smem:$0x3FB1] =	sst s7  }
0x10: {  	[smem:$0x3FB2] =	sst s8  }
0x11: {  	[smem:$0x3FB3] =	sst s9;
	s0 =	simm.s32 @!p0 $0x0  }
0x12: {  	s1 =	sld [smem:$0x3F99];
	s0 =	simm.s32 @p0 $0x1  }
0x13: {  	[smem:$0x3FB4] =	sst s0;
	s0 =	simm.s32 @!p1 $0x0  }
0x14: {  	s2 =	sld [smem:$0x3F98];
	s0 =	simm.s32 @p1 $0x1  }
0x15: {  	[smem:$0x3FB5] =	sst s0;
	s0 =	simm.s32 @!p2 $0x0  }
0x16: {  	s3 =	sld [smem:$0x3FDB];
	s0 =	simm.s32 @p2 $0x1  }
0x17: {  	s4 =	simm.s32 $0x1BF5;
	[smem:$0x3FB7] =	sst s0  }
0x18: {  	s0 =	sld [smem:$0x3F9A];
	_ =	swait.ge [sflag:s4], $0x0  }
0x19: {  	s7 =	sld [smem:$0x3F9B]  }
0x1a: {  	s8 =	sadd.s32 $0xFFFFE003, lr  }
0x1b: {  	s9 =	sadd.s32 $0xFFFFFEF7, lr;
	s5 =	simm.s32 $0xFFFFFFFF;
	p2 =	slt.u32 s8, $0xFFFFF086  }
0x1c: {  	p1 =	slt.u32 s9, $0xF7A;
	s5 =	simm.s32 @!p2 $0x0  }
0x1d: {  	s5 =	simm.s32 @p1 $0x1;
	p0 =	seq.s32 s7, s2  }
0x1e: {  	s7 =	smul.u32 @!p0 $0xF7A, s2;
	p2 =	seq.s32 @!p0 s5, $0x0  }
0x1f: {  	s9 =	smul.u32 $0xF7A, s1;
	s8 =	simm.s32 @!p0 $0x1BF5;
	p2 =	por !p2, p0  }
0x20: {  	[sflag:s8] =	ssyncset.s32 @!p0 $0xFFFFF086;
	s6 =	sadd.s32 @!p0 s3, s7;
	s7 =	simm.s32 @!p0 $0x108  }
0x21: {  	s3 =	sadd.s32 s3, s9;
	s6 =	sadd.s32 @!p0 $0x88, s6;
	s7 =	simm.s32 @p2 $0x1082  }
0x22: {  	[simem:s7], [sflag:s8] =	dma.local @!p0 [hbm:s6], $0xF7A  }
0x23: {  	s9 =	sor.u32 $0xD0000000, s2;
	s6 =	simm.s32 $0x108;
	_ =	swait.ge @!p0 [sflag:s8], $0x0  }
0x24: {  	s3 =	sadd.s32 $0x88, s3;
	s6 =	simm.s32 @!p1 $0x1082;
	[sflag:s4] =	ssyncset.s32 $0xFFFFF086  }
0x25: {  	[simem:s6], [sflag:s4] =	dma.local [hbm:s3], $0xF7A  }
0x26: {  	[smem:$0x3F9B] =	sst s1;
	(tag) =	ssettag s2;
	_ =	strace s9  }
0x27: {  	s1 =	sld [smem:$0x3FAB]  }
0x28: {  	s2 =	sld [smem:$0x3FAC]  }
0x29: {  	s4 =	sld [smem:$0x3FAE]  }
0x2a: {  	p0 =	seq.s32 s5, $0x0;
	s5 =	sld [smem:$0x3FAF]  }
0x2b: {  	s6 =	sld [smem:$0x3FB0]  }
0x2c: {  	s7 =	sld [smem:$0x3FB1]  }
0x2d: {  	s3 =	simm.s32 $0x108;
	s8 =	sld [smem:$0x3FB2]  }
0x2e: {  	s3 =	simm.s32 @!p0 $0x1082;
	s9 =	sld [smem:$0x3FB3]  }
0x2f: {  	lr =	sadd.s32 s0, s3;
	s0 =	sld [smem:$0x3FAA]  }
0x30: {  	s3 =	sld [smem:$0x3FAD]  }
0x31: {  	[smem:$0x3FB6] =	sst s10  }
0x32: {  	s10 =	sld [smem:$0x3FB4];
	_ =	sdelay $0x3  }
0x33: {  	p0 =	seq.s32 s10, $0x1;
	s10 =	sld [smem:$0x3FB6];
	_ =	sdelay $0x3  }
0x34: {  	[smem:$0x3FB6] =	sst s10  }
0x35: {  	s10 =	sld [smem:$0x3FB5];
	_ =	sdelay $0x3  }
0x36: {  	p1 =	seq.s32 s10, $0x1;
	s10 =	sld [smem:$0x3FB6];
	_ =	sdelay $0x3  }
0x37: {  	[smem:$0x3FB6] =	sst s10  }
0x38: {  	s10 =	sld [smem:$0x3FB7]  }
0x39: {  	_ = 	snop;
	(pc) =	sbr.ind lr, $3  }
0x3a: {  	_ = 	snop  }
0x3b: {  	_ = 	snop  }
0x3c: {  	p2 =	seq.s32 s10, $0x1;
	s10 =	sld [smem:$0x3FB6]  }
0x3d: {  	_ =	shalt  }
0x3e: {  	_ =	shalt  }
0x3f: {  	_ =	shalt  }
0x40: {  	_ =	shalt  }
0x41: {  	_ =	shalt  }
0x42: {  	_ =	shalt  }
0x43: {  	_ =	shalt  }
0x44: {  	_ =	shalt  }
0x45: {  	_ =	shalt  }
0x46: {  	_ =	shalt  }
0x47: {  	_ =	shalt  }
0x48: {  	_ =	shalt  }
0x49: {  	_ =	shalt  }
0x4a: {  	_ =	shalt  }
0x4b: {  	_ =	shalt  }
0x4c: {  	_ =	shalt  }
0x4d: {  	_ =	shalt  }
0x4e: {  	_ =	shalt  }
0x4f: {  	_ =	shalt  }
0x50: {  	_ =	shalt  }
0x51: {  	_ =	shalt  }
0x52: {  	_ =	shalt  }
0x53: {  	_ =	shalt  }
0x54: {  	_ =	shalt  }
0x55: {  	_ =	shalt  }
0x56: {  	_ =	shalt  }
0x57: {  	_ =	shalt  }
0x58: {  	_ =	shalt  }
0x59: {  	_ =	shalt  }
0x5a: {  	_ =	shalt  }
0x5b: {  	_ =	shalt  }
0x5c: {  	_ =	shalt  }
0x5d: {  	_ =	shalt  }
0x5e: {  	_ =	shalt  }
0x5f: {  	_ =	shalt  }
0x60: {  	_ =	shalt  }
0x61: {  	_ =	shalt  }
0x62: {  	_ =	shalt  }
0x63: {  	_ =	shalt  }
0x64: {  	_ =	shalt  }
0x65: {  	_ =	shalt  }
0x66: {  	_ =	shalt  }
0x67: {  	_ =	shalt  }
0x68: {  	_ =	shalt  }
0x69: {  	_ =	shalt  }
0x6a: {  	_ =	shalt  }
0x6b: {  	_ =	shalt  }
0x6c: {  	_ =	shalt  }
0x6d: {  	_ =	shalt  }
0x6e: {  	_ =	shalt  }
0x6f: {  	_ =	shalt  }
0x70: {  	_ =	shalt  }
0x71: {  	_ =	shalt  }
0x72: {  	_ =	shalt  }
0x73: {  	_ =	shalt  }
0x74: {  	_ =	shalt  }
0x75: {  	_ =	shalt  }
0x76: {  	_ =	shalt  }
0x77: {  	_ =	shalt  }
0x78: {  	_ =	shalt  }
0x79: {  	_ =	shalt  }
0x7a: {  	_ =	shalt  }
0x7b: {  	_ =	shalt  }
0x7c: {  	_ =	shalt  }
0x7d: {  	_ =	shalt  }
0x7e: {  	_ =	shalt  }
0x7f: {  	_ =	shalt  }
0x80: {  	_ =	shalt  }
0x81: {  	_ =	shalt  }
0x82: {  	_ =	shalt  }
0x83: {  	_ =	shalt  }
0x84: {  	_ =	shalt  }
0x85: {  	_ =	shalt  }
0x86: {  	_ =	shalt  }
0x87: {  	_ =	shalt  }
.Lfunc_end0:
.L_simem_size_0:
called_computation_lowered:
.L_overlay_start_0:
0x88: {  	s2 =	sld [smem:$0x3FD9]  }
0x89: {  	s3 =	sld [smem:$0x3FFE];
	_ =	sdelay $0x1  }
0x8a: {  	s1 =	srdreg.scid  }
0x8b: {  	s0 =	sand.u32 $0x1, s1  }
0x8c: {  	s14 =	sshll.u32 s0, $0xA;
	s2 =	sadd.s32 s3, s2  }
0x8d: {  	s2 =	sadd.s32 s2, s14  }
0x8e: {  	[smem:$0x3FC2] =	sst s2  }
0x8f: {  	_ = 	snop  }
0x90: {  	s2 =	sld [smem:$0x3FD0];
	_ =	sdelay $0x2  }
0x91: {  	s15 =	simm.s32 $0xA;
	s4 =	simm.s32 $0x10  }
0x92: {  	[smem:s4], [sflag:s15] =	dma.local [hbm:s2], $0x1  }
0x93: {  	_ =	swait.eq [sflag:s15], $0x1  }
0x94: {  	[sflag:s15] =	ssyncset.done $0x0  }
0x95: {  	[sflag:s15] =	ssyncadd.s32 $0xFFFFFFFF  }
0x96: {  	s16 =	sld [smem:$0x10];
	(tm) =	ssettm $0x1  }
0x97: {  	s17 =	sld [smem:$0x3FFB];
	_ =	sdelay $0x3  }
0x98: {  	_ =	strace s17  }
0x99: {  	s3 =	sld [smem:$0x3FFC];
	_ =	sdelay $0x3  }
0x9a: {  	_ =	strace s3  }
0x9b: {  	s3 =	sld [smem:$0x3FFD];
	_ =	sdelay $0x3  }
0x9c: {  	_ =	strace s3  }
0x9d: {  	_ =	strace $0x8FFFFFFF  }
0x9e: {  	s18 =	sld [smem:$0x3FDB];
	_ =	sdelay $0x1  }
0x9f: {  	s19 =	simm.s32 $_scs_section_size  }
0xa0: {  	s5 =	simm.s32 $_size__tile_overlayer_lowered;
	s6 =	simm.s32 $_tile_overlayer_lowered  }
0xa1: {  	s22 =	simm.s32 $0x1BFF;
	s21 =	sshll.u32 s6, $0x1;
	s3 =	sadd.s32 s19, s18  }
0xa2: {  	s7 =	simm.s32 $0x0;
	s20 =	sshll.u32 s5, $0x1;
	s5 =	sadd.s32 s21, s3  }
0xa3: {  	[timem:s7], [sflag:s22] =	dma.local [hbm:s5], s20  }
0xa4: {  	_ =	swait.ge [sflag:s22], s20  }
0xa5: {  	s4 =	ssub.s32 $0x0, s20;
	[sflag:s22] =	ssyncset.done $0x0  }
0xa6: {  	[sflag:s22] =	ssyncadd.s32 s4;
	_ =	sdelay $0x1  }
0xa7: {  	s23 =	simm.s32 $0x1B8B  }
0xa8: {  	_ =	swait.ge [sflag:s23], $0x1  }
0xa9: {  	[sflag:s23] =	ssyncset.done $0x0  }
0xaa: {  	s25 =	simm.s32 $0x1B8E;
	s24 =	sld [smem:$0x3FFE];
	[sflag:s23] =	ssyncadd.s32 $0xFFFFFFFF  }
0xab: {  	s26 =	simm.s32 $execute0_lowered;
	[smem:$0x3FD2] =	sst s25  }
0xac: {  	s5 =	sshll.u32 s26, $0x1;
	_ =	strace $0x80000046;
	[dreg:$0x1] =	wrdreg $0xFFFFFFFF  }
0xad: {  	s28 =	simm.s32 $_size_execute0_lowered;
	s3 =	sadd.s32 s3, s5;
	[dreg:$0x0] =	wrdreg $0x0  }
0xae: {  	s5 =	sshll.u32 s28, $0x1;
	[dreg:$0x2] =	wrdreg s3  }
0xaf: {  	[dreg:$0x3] =	wrdreg s5  }
0xb0: {  	[dreg:$0x4] =	wrdreg $0xC0  }
0xb1: {  	_ =	task [dreg:s7], $0x5FFFF  }
0xb2: {  	[dreg:$0x1] =	wrdreg $0xFFFFFFFF  }
0xb3: {  	[dreg:$0x0] =	wrdreg $0x60  }
0xb4: {  	[dreg:$0x2] =	wrdreg s24  }
0xb5: {  	[dreg:$0x3] =	wrdreg s16  }
0xb6: {  	[dreg:$0x4] =	wrdreg $0x9  }
0xb7: {  	_ =	task.clear_ibuf [dreg:s7], $0x5FFFF;
	_ =	strace $0x90000046  }
0xb8: {  	s29 =	simm.s32 $0x9;
	_ =	strace $0x80000048  }
0xb9: {  	_ =	swait.ge [sflag:s29], $0x1  }
0xba: {  	[sflag:s29] =	ssyncadd.s32 $0xFFFFFFFF  }
0xbb: {  	_ =	strace $0x90000048  }
0xbc: {  	_ =	sfence  }
0xbd: {  	s30 =	sld [smem:$0x0];
	_ =	sdelay $0x2  }
0xbe: {  	s31 =	sshll.u32 s1, $0xD;
	s1 =	sshrl.u32 s1, $0x2  }
0xbf: {  	s3 =	sand.u32 $0x4000, s31;
	s1 =	sadd.s32 s1, s30  }
0xc0: {  	s0 =	sor.u32 s3, s0;
	s1 =	sshll.u32 s1, $0x11  }
0xc1: {  	s0 =	sor.u32 s1, s0  }
0xc2: {  	s0 =	sadd.s32 $0x8F2B, s0  }
0xc3: {  	[sflag:s0] =	ssyncadd.remote.s32 $0x1  }
0xc4: {  	_ =	sfence.sel $0xFFFF  }
0xc5: {  	[dreg:$0x0] =	wrdreg $0xFFFFFFFF;
	(pc) =	sbr.abs _section_cstart, $3  }
0xc6: {  	[dreg:$0x1] =	wrdreg $0xFFFFFFFF  }
0xc7: {  	_ =	task.clear_ibuf [dreg:s7], $0x2FFFF;
	_ =	strace $0x9FFFFFFF  }
0xc8: {  	(tm) =	ssettm $0x7FFFFFFF  }
0xc9: {  	_ =	shalt  }
tec
execute0_lowered:
.L_overlay_start_1:
0x0: {  	(tag) =	ssettag $0x1  }
0x1: {  	s2 =	rddreg [dreg:$0x0]  }
0x2: {  	s4 =	rddreg [dreg:$0x1];
	s3 =	srdreg.scid  }
0x3: {  	s0 =	rddreg [dreg:$0x2];
	s1 =	stileid.u32;
	s9 =	simm.s32 $0x880  }
0x4: {  	s10 =	simm.s32 $0x1080;
	s11 =	simm.s32 $0x1880;
	s12 =	simm.s32 $0x1  }
0x5: {  	s5 =	sand.u32 $0x1, s3;
	s3 =	simm.s32 $0x0;
	s6 =	sshll.u32 s1, $0x6  }
0x6: {  	s7 =	sshll.u32 s5, $0x5;
	[smem:$0x7FF] =	sst s3;
	s5 =	ssub.s32 $0x2, s5  }
0x7: {  	s6 =	sor.u32 s7, s6;
	_ =	strace $0x80000047;
	s8 =	sshrl.u32 s5, $0x1  }
0x8: {  	v2 =	vlaneseq.u32;
	s7 =	sshll.u32 s6, $0x5;
	s8 =	ssub.s32 s5, s8;
	s31 =	sshrl.u32 s6, $0x3  }
0x9: {  	vm0 =	vmmov $0xffff;
	v1 =	vshrl.u32 v2, $0x3;
	s7 =	sadd.s32 s7, s2;
	s4 =	sadd.s32 s4, s31;
	s6 =	smax.u32 s8, $0x1  }
0xa: {  	v0 =	vand.u32 $0x7, v2;
	v2 =	vor.u32 $0x8, v2;
	v1 =	vmul.u32 $0x8, v1;
	s8 =	simm.s32 $0x80;
	s5 =	sadd.s32 $0x40000, s7;
	s7 =	simm.s32 $0x2  }
.LBB2_1:
0xb: {  	[tilespmem:s3], [sflag:$0x2] =	stream.linear.gather [hbm4b:s4+s3], $0x20, $0x38;
	[tilespmem:$0x2080] =	vst v63  }
0xc: {  	_ =	swait.ge [sflag:s7], $0x20  }
0xd: {  	[sflag:s7] =	ssyncset.done $0x0  }
0xe: {  	[sflag:s7] =	ssyncadd.s32 $0xFFFFFFE0  }
0xf: {  	v3 =	vld [tilespmem:$0x0];
	_ =	sdelay $0x4  }
0x10: {  	v4 =	vshll.u32 v3, $0x1  }
0x11: {  	v3 =	vand.u32 $0x7, v3;
	v4 =	vand.u32 $0xFFFFFFF0, v4  }
0x12: {  	v3 =	vor.u32 v3, v4  }
0x13: {  	v4 =	vperm.xlane v3, v0;
	_ =	sdelay $0x1  }
0x14: {  	v3 =	vperm.xlane v3, v2;
	v4 =	vadd.s32 v1, v4;
	_ =	sdelay $0x1  }
0x15: {  	v3 =	vadd.s32 v1, v3;
	_ =	sdelay $0x2  }
0x16: {  	[tilespmem:s8], [sflag:$0x1] =	stream.indirect_vreg.gather [hbm4b:s2+s3], $0x80, v4, vm0, $0xb8;
	[tilespmem:$0x2080] =	vst v63  }
0x17: {  	_ = 	snop  }
0x18: {  	[tilespmem:s9], [sflag:$0x1] =	stream.indirect_vreg.gather [hbm4b:s2+s3], $0x80, v3, vm0, $0xb8;
	[tilespmem:$0x2080] =	vst v63  }
0x19: {  	v3 =	vld [tilespmem:$0x10];
	_ =	sdelay $0x4  }
0x1a: {  	v63 =	vshll.u32 v3, $0x1  }
0x1b: {  	v3 =	vand.u32 $0x7, v3;
	v4 =	vand.u32 $0xFFFFFFF0, v63  }
0x1c: {  	v3 =	vor.u32 v3, v4  }
0x1d: {  	v4 =	vperm.xlane v3, v0;
	_ =	sdelay $0x1  }
0x1e: {  	v3 =	vperm.xlane v3, v2;
	v4 =	vadd.s32 v1, v4;
	_ =	sdelay $0x1  }
0x1f: {  	v3 =	vadd.s32 v1, v3;
	_ =	sdelay $0x2  }
0x20: {  	[tilespmem:s10], [sflag:$0x1] =	stream.indirect_vreg.gather [hbm4b:s2+s3], $0x80, v4, vm0, $0xb8;
	[tilespmem:$0x2080] =	vst v63  }
0x21: {  	_ = 	snop  }
0x22: {  	[tilespmem:s11], [sflag:$0x1] =	stream.indirect_vreg.gather [hbm4b:s2+s3], $0x80, v3, vm0, $0xb8;
	[tilespmem:$0x2080] =	vst v63  }
0x23: {  	_ =	swait.ge [sflag:s12], $0x2000  }
0x24: {  	p0 =	sne.s32 s6, $0x1;
	[sflag:s12] =	ssyncset.done $0x0  }
.Ltmp0:
0x25: {  	[sflag:s12] =	ssyncadd.s32 $0xFFFFE000;
	(pc) =	sbr.rel @p0 .LBB2_1-.Ltmp0, $4  }
0x26: {  	[hbm4b:s5+s3] =	stream.linear.scatter [tilespmem:s8], [sflag:$0x2], $0x2000, $0x38;
	[tilespmem:$0x2080] =	vst v63  }
0x27: {  	_ =	swait.ge [sflag:s7], $0x2000  }
0x28: {  	[sflag:s7] =	ssyncset.done $0x0  }
0x29: {  	s6 =	sadd.s32 $0xFFFFFFFF, s6;
	[sflag:s7] =	ssyncadd.s32 $0xFFFFE000  }
0x2a: {  	_ =	sfence.sel $0x180000  }
0x2b: {  	[bflag:$0x0] =	sbarrier.arrive $0xFFFF  }
0x2c: {  	p0 =	sne.s32 s1, $0x0;
	_ =	strace $0x90000047  }
0x2d: {  	s0 =	sadd.s32 @!p0 $0x100000, s0;
	[bflag:$0x2] =	sbarrier.arrive $0xFFFF  }
0x2e: {  	[sflag:s0] =	ssyncadd.tile.s32 @!p0 $0x1;
	_ =	shalt  }
.Lfunc_end2:
_tile_overlayer_lowered:
.L_overlay_start_2:
0x2f: {  	(tag) =	ssettag $0x2  }
0x30: {  	s0 =	rddreg [dreg:$0x0];
	s2 =	stileid.u32  }
0x31: {  	s1 =	rddreg [dreg:$0x1];
	p0 =	sne.s32 s2, $0x0  }
0x32: {  	s3 =	rddreg [dreg:$0x2];
	[bflag:$0x3] =	sbarrier.arrive $0xFFFF;
	s2 =	simm.s32 @!p0 $0x1C02  }
0x33: {  	[timem:s3], [sflag:s2] =	dma.local @!p0 [hbm:s0], s1  }
0x34: {  	s0 =	simm.s32 @!p0 $0x2  }
0x35: {  	_ =	swait.ge @!p0 [sflag:s0], s1  }
0x36: {  	s1 =	ssub.s32 @!p0 $0x0, s1;
	[sflag:s0] =	ssyncset.done @!p0 $0x0  }
0x37: {  	[sflag:s0] =	ssyncadd.s32 @!p0 s1  }
0x38: {  	[bflag:$0x3] =	sbarrier.arrive $0xFFFF  }
0x39: {  	_ =	shalt  }

</sc_bundles>
